<compile_context>
chip_gen: v7x
topology: tpu7x:2x2x1
jax: 0.10.2.dev20260603
libtpu: 0.0.44.dev20260713+nightly
codegen_flags: <defaults>
</compile_context>

<pallas_src>
import functools

import jax
import jax.numpy as jnp
import numpy as np
from jax import lax
from jax.experimental import pallas as pl
from jax.experimental.pallas import tpu as pltpu
from jax.experimental.pallas import tpu_sc as plsc

H = 128
N_NODES = 10000
N_EDGES = 320000

NC = 2
NS = 16
NW = NC * NS

EDGES_PER_TILE = N_EDGES // NW
BLK = 80
NBLK = EDGES_PER_TILE // BLK
N_ACC = 10240
ROWS_PER_TILE = N_ACC // NS
CROWS = N_ACC // H
PROWS = CROWS // 2
ZCH = ROWS_PER_TILE // BLK

MESH = plsc.VectorSubcoreMesh(core_axis_name="c", subcore_axis_name="s")


def _sc_fused(recv3d, e):
    @functools.partial(
        pl.kernel,
        out_type=(
            jax.ShapeDtypeStruct((NC * N_ACC, H), jnp.float32),
            jax.ShapeDtypeStruct((NC * PROWS, H), jnp.int32),
        ),
        mesh=MESH,
        compiler_params=pltpu.CompilerParams(needs_layout_passes=False,
                                             use_tc_tiling_on_sc=False),
        scratch_types=[
            pltpu.VMEM((NBLK, BLK), jnp.int32),
            pltpu.VMEM((BLK, H), jnp.float32),
            pltpu.VMEM((BLK, H), jnp.float32),
            pltpu.VMEM((BLK, H), jnp.float32),
            pltpu.VMEM((PROWS, H), jnp.int32),
            pltpu.VMEM((PROWS,), jnp.int32),
            pltpu.VMEM_SHARED((N_ACC, H), jnp.float32),
            pltpu.VMEM_SHARED((PROWS, H), jnp.int32),
            pltpu.SemaphoreType.DMA,
            pltpu.SemaphoreType.DMA,
            pltpu.SemaphoreType.DMA,
        ],
    )
    def k(recv_hbm, e_hbm,
          sums_out, cnt_out,
          idx_v, ebuf0, ebuf1, ebuf2, cnt2d, iota_v, acc, acc_c,
          sem0, sem1, sem2):
        c = lax.axis_index("c")
        s = lax.axis_index("s")
        w = c * NS + s
        r0 = s * ROWS_PER_TILE
        ebase = w * EDGES_PER_TILE
        ebufs = (ebuf0, ebuf1, ebuf2)
        sems = (sem0, sem1, sem2)

        pltpu.async_copy(recv_hbm.at[w], idx_v, sem0)

        iota_v[pl.ds(0, 16)] = lax.iota(jnp.int32, 16)
        iota_v[pl.ds(16, 16)] = lax.iota(jnp.int32, 16) + 16
        iota_v[pl.ds(24, 16)] = lax.iota(jnp.int32, 16) + 24

        z16i = jnp.zeros((16,), jnp.int32)
        z16f = jnp.zeros((16,), jnp.float32)

        def zrow_c(j, carry):
            for kk in range(H // 16):
                cnt2d[j, pl.ds(kk * 16, 16)] = z16i
            return carry

        lax.fori_loop(0, PROWS, zrow_c, 0)

        def zrow_e(j, carry):
            for kk in range(H // 16):
                ebuf0[j, pl.ds(kk * 16, 16)] = z16f
            return carry

        lax.fori_loop(0, BLK, zrow_e, 0)
        for zz in range(ZCH):
            pltpu.sync_copy(ebuf0, acc.at[pl.ds(r0 + zz * BLK, BLK)])

        @pl.when(s == 0)
        def _():
            pltpu.sync_copy(cnt2d, acc_c)

        pltpu.make_async_copy(recv_hbm.at[w], idx_v, sem0).wait()
        plsc.subcore_barrier()

        one16 = jnp.ones((16,), jnp.int32)

        def count_block(j):
            for kk in range(BLK // 16):
                idx16 = idx_v[j, pl.ds(kk * 16, 16)]
                row = lax.shift_right_logical(idx16, 8)
                col = lax.bitwise_and(lax.shift_right_logical(idx16, 1), 127)
                val = lax.shift_left(
                    one16, lax.shift_left(lax.bitwise_and(idx16, 1), 4))
                plsc.addupdate_scatter(cnt2d, [row, col], val)

        def load_e(j, b):
            pltpu.async_copy(e_hbm.at[pl.ds(ebase + j * BLK, BLK)],
                             ebufs[b], sems[b])

        def substep(j, b):
            load_e(j + 2, (b + 2) % 3)
            count_block(j)
            pltpu.make_async_copy(e_hbm.at[pl.ds(ebase, BLK)],
                                  ebufs[b], sems[b]).wait()
            pltpu.sync_copy(ebufs[b], acc.at[idx_v.at[j]], add=True)

        load_e(0, 0)
        load_e(1, 1)

        def body(t, carry):
            j = 3 * t
            substep(j, 0)
            substep(j + 1, 1)
            substep(j + 2, 2)
            return carry

        lax.fori_loop(0, (NBLK - 2) // 3, body, 0)
        for j, b in ((NBLK - 2, 0), (NBLK - 1, 1)):
            count_block(j)
            pltpu.make_async_copy(e_hbm.at[pl.ds(ebase, BLK)],
                                  ebufs[b], sems[b]).wait()
            pltpu.sync_copy(ebufs[b], acc.at[idx_v.at[j]], add=True)

        plsc.subcore_barrier()
        pltpu.sync_copy(cnt2d, acc_c.at[iota_v], add=True)
        plsc.subcore_barrier()

        pltpu.sync_copy(acc.at[pl.ds(r0, ROWS_PER_TILE)],
                        sums_out.at[pl.ds(c * N_ACC + r0, ROWS_PER_TILE)])

        @pl.when(s == 0)
        def _():
            pltpu.sync_copy(acc_c, cnt_out.at[pl.ds(c * PROWS, PROWS)])

    return k(recv3d, e)


RBLK = 2048
CR_B = RBLK // H


def _tc_mlp_body(s0_ref, s1_ref, c0_ref, c1_ref, p_ref, b_ref, m_ref, v_ref,
                 w1a_ref, w1b_ref, b1_ref, w2_ref, b2_ref, out_ref):
    sums = s0_ref[0] + s1_ref[0]
    pk = c0_ref[0] + c1_ref[0]
    lo = jnp.bitwise_and(pk, 0xFFFF).astype(jnp.float32)
    hi = jnp.right_shift(pk, 16).astype(jnp.float32)
    eL = jnp.dot(p_ref[...], lo, preferred_element_type=jnp.float32)
    eH = jnp.dot(p_ref[...], hi, preferred_element_type=jnp.float32)
    mixed = (eL * m_ref[...] + eH * (1.0 - m_ref[...])) * b_ref[...]
    cnt = jnp.sum(mixed, axis=1, keepdims=True)
    mean = sums / jnp.maximum(cnt, 1.0)
    h = jnp.dot(mean, w1a_ref[...], preferred_element_type=jnp.float32)
    h = h + jnp.dot(v_ref[...], w1b_ref[...], preferred_element_type=jnp.float32)
    h = jnp.maximum(h + b1_ref[...], 0.0)
    o = jnp.dot(h, w2_ref[...], preferred_element_type=jnp.float32)
    out_ref[...] = o + b2_ref[...]


PB = RBLK // 256


def _tc_mlp(sums3, cimg3, v, W1a, W1b, b1, W2, b2):
    r = np.arange(RBLK)
    P = (r[:, None] >> 8 == np.arange(PB)[None, :]).astype(np.float32)
    B = (((r[:, None] >> 1) & 127) == np.arange(H)[None, :]).astype(np.float32)
    M = ((r[:, None] & 1) == 0).astype(np.float32)
    grid = (N_ACC // RBLK,)
    part0 = pl.BlockSpec((1, RBLK, H), lambda i: (0, i, 0))
    part1 = pl.BlockSpec((1, RBLK, H), lambda i: (1, i, 0))
    cim0 = pl.BlockSpec((1, PB, H), lambda i: (0, i, 0))
    cim1 = pl.BlockSpec((1, PB, H), lambda i: (1, i, 0))
    full = pl.BlockSpec((H, H), lambda i: (0, 0))
    bias = pl.BlockSpec((1, H), lambda i: (0, 0))
    return pl.pallas_call(
        _tc_mlp_body,
        grid=grid,
        in_specs=[part0, part1, cim0, cim1,
                  pl.BlockSpec((RBLK, PB), lambda i: (0, 0)),
                  pl.BlockSpec((RBLK, H), lambda i: (0, 0)),
                  pl.BlockSpec((RBLK, 1), lambda i: (0, 0)),
                  pl.BlockSpec((RBLK, H), lambda i: (i, 0)),
                  full, full, bias, full, bias],
        out_specs=pl.BlockSpec((RBLK, H), lambda i: (i, 0)),
        out_shape=jax.ShapeDtypeStruct((N_NODES, H), jnp.float32),
    )(sums3, sums3, cimg3, cimg3, jnp.asarray(P), jnp.asarray(B),
      jnp.asarray(M), v, W1a, W1b, b1, W2, b2)


def kernel(v, edge_index, e, W1, b1, W2, b2):
    recv = edge_index[1].astype(jnp.int32).reshape(NW, NBLK, BLK)

    sums, cnt32 = _sc_fused(recv, e)
    sums = sums.reshape(NC, N_ACC, H)
    cimg = cnt32.reshape(NC, PROWS, H)

    return _tc_mlp(sums, cimg, v, W1[:H], W1[H:],
                   b1.reshape(1, H), W2, b2.reshape(1, H))

# --- scband reference (transcript-rebuilt; emitter-appended) ---
"""Pipeline reference for scband-node-model-20358144983598 (READ-ONLY COPY).

The authoritative reference and input builder live on the scoring server;
editing this copy changes nothing except your own understanding.
"""

import jax, jax.numpy as jnp
import numpy as np

H = 128
N_NODES = 10000
N_EDGES = 320000

def setup_inputs(seed: int = 0) -> dict:
    key = jax.random.key(seed)
    k1, k2, k3, k4, k5, k6, k7 = jax.random.split(key, 7)
    v = jax.random.normal(k1, (N_NODES, H), dtype=jnp.float32)
    edge_index = jax.random.randint(k2, (2, N_EDGES), 0, N_NODES, dtype=jnp.int64)
    e = jax.random.normal(k3, (N_EDGES, H), dtype=jnp.float32)
    # NDenseBlock(2*h_dim, h_dim, h_dim, n_dense=2, activate_last=False):
    # Linear(256->128) + ReLU + Linear(128->128)
    W1 = jax.random.normal(k4, (2 * H, H), dtype=jnp.float32) * (1.0 / np.sqrt(2 * H))
    b1 = jax.random.normal(k5, (H,), dtype=jnp.float32) * 0.01
    W2 = jax.random.normal(k6, (H, H), dtype=jnp.float32) * (1.0 / np.sqrt(H))
    b2 = jax.random.normal(k7, (H,), dtype=jnp.float32) * 0.01
    return {"v": v, "edge_index": edge_index, "e": e, "W1": W1, "b1": b1, "W2": W2, "b2": b2}

def reference(v, edge_index, e, W1, b1, W2, b2):
    receiver = edge_index[1]
    n = v.shape[0]
    # scatter_mean(e, receiver, dim=0, dim_size=n)
    summed = jax.ops.segment_sum(e, receiver, num_segments=n)
    counts = jax.ops.segment_sum(jnp.ones((e.shape[0],), dtype=e.dtype), receiver, num_segments=n)
    mean = summed / jnp.clip(counts, 1.0, None)[:, None]
    h = jnp.concatenate([mean, v], axis=-1)
    h = jax.nn.relu(h @ W1 + b1)
    out = h @ W2 + b2  # activate_last=False -> no final activation
    return out

if __name__ == "__main__":
    import jax
    _d = setup_inputs()
    print(jax.jit(kernel)(*tuple(_d.values())))

</pallas_src>

<mosaic_0001>
#map = affine_map<(d0, d1) -> (0, 0, 0)>
#map1 = affine_map<(d0, d1) -> (0, 0)>
module attributes {stable_mosaic.version = 14 : i64} {
  func.func @k(%arg0: i32, %arg1: i32, %arg2: memref<32x125x80xi32, #tpu.memory_space<hbm>>, %arg3: memref<320000x128xf32, #tpu.memory_space<hbm>>, %arg4: memref<20480x128xf32, #tpu.memory_space<hbm>>, %arg5: memref<80x128xi32, #tpu.memory_space<hbm>>, %arg6: memref<125x80xi32, #tpu.memory_space<vmem>>, %arg7: memref<80x128xf32, #tpu.memory_space<vmem>>, %arg8: memref<80x128xf32, #tpu.memory_space<vmem>>, %arg9: memref<80x128xf32, #tpu.memory_space<vmem>>, %arg10: memref<40x128xi32, #tpu.memory_space<vmem>>, %arg11: memref<40xi32, #tpu.memory_space<vmem>>, %arg12: memref<10240x128xf32, #tpu.memory_space<vmem_shared>>, %arg13: memref<40x128xi32, #tpu.memory_space<vmem_shared>>, %arg14: memref<!tpu.dma_semaphore, #tpu.memory_space<semaphore_mem>>, %arg15: memref<!tpu.dma_semaphore, #tpu.memory_space<semaphore_mem>>, %arg16: memref<!tpu.dma_semaphore, #tpu.memory_space<semaphore_mem>>) attributes {dimension_semantics = [#tpu.dimension_semantics<core_parallel>, #tpu.dimension_semantics<subcore_parallel>], iteration_bounds = array<i64: 2, 16>, scalar_prefetch = 0 : i64, scratch_operands = 11 : i64, tpu.core_type = #tpu.core_type<sc_vector_subcore>, window_params = [{transform_indices = #map}, {transform_indices = #map1}, {transform_indices = #map1}, {transform_indices = #map1}]} {
    %mul3A = arith.constant 16 : i32
    %mul3A_0 = arith.muli %arg0, %mul3A : i32
    %add3A = arith.addi %mul3A_0, %arg1 : i32
    %mul3A_1 = arith.constant 640 : i32
    %mul3A_2 = arith.muli %arg1, %mul3A_1 : i32
    %mul3A_3 = arith.constant 10000 : i32
    %mul3A_4 = arith.muli %add3A, %mul3A_3 : i32
    %dma_start3A = arith.constant 0 : i32
    %dma_start3A_5 = arith.constant 0 : i32
    %dma_start3A_6 = tpu.memref_slice %arg2[%add3A, %dma_start3A, %dma_start3A_5] : memref<32x125x80xi32, #tpu.memory_space<hbm>> -> memref<1x125x80xi32, #tpu.memory_space<hbm>>
    %dma_start3A_7 = tpu.memref_squeeze %dma_start3A_6 : memref<1x125x80xi32, #tpu.memory_space<hbm>> -> memref<125x80xi32, #tpu.memory_space<hbm>>
    %dma_start3A_8 = arith.constant 0 : i32
    %dma_start3A_9 = arith.constant 0 : i32
    %dma_start3A_10 = tpu.memref_slice %arg2[%add3A, %dma_start3A_8, %dma_start3A_9] : memref<32x125x80xi32, #tpu.memory_space<hbm>> -> memref<1x125x80xi32, #tpu.memory_space<hbm>>
    %dma_start3A_11 = tpu.memref_squeeze %dma_start3A_10 : memref<1x125x80xi32, #tpu.memory_space<hbm>> -> memref<125x80xi32, #tpu.memory_space<hbm>>
    tpu.enqueue_dma source(%dma_start3A_11 : memref<125x80xi32, #tpu.memory_space<hbm>>) target(%arg6 : memref<125x80xi32, #tpu.memory_space<vmem>>) target_semaphore(%arg14 : memref<!tpu.dma_semaphore, #tpu.memory_space<semaphore_mem>>)
    %iota3A = tpu.iota {dimensions = array<i32: 0>} : vector<16xi32>
    %swap3A = arith.constant 0 : index
    %swap3A_12 = tpu.vector_load %arg11[%swap3A] {strides = array<i32>} : memref<40xi32, #tpu.memory_space<vmem>>, vector<16xi32>,
    tpu.vector_store %arg11[%swap3A], %iota3A {strides = array<i32>} : memref<40xi32, #tpu.memory_space<vmem>>, vector<16xi32>,
    %iota3A_13 = tpu.iota {dimensions = array<i32: 0>} : vector<16xi32>
    %add3A_14 = arith.constant 16 : i32
    %add3A_15 = vector.broadcast %add3A_14 : i32 to vector<16xi32>
    %add3A_16 = arith.addi %iota3A_13, %add3A_15 : vector<16xi32>
    %swap3A_17 = arith.constant 16 : index
    %swap3A_18 = tpu.vector_load %arg11[%swap3A_17] {strides = array<i32>} : memref<40xi32, #tpu.memory_space<vmem>>, vector<16xi32>,
    tpu.vector_store %arg11[%swap3A_17], %add3A_16 {strides = array<i32>} : memref<40xi32, #tpu.memory_space<vmem>>, vector<16xi32>,
    %iota3A_19 = tpu.iota {dimensions = array<i32: 0>} : vector<16xi32>
    %add3A_20 = arith.constant 24 : i32
    %add3A_21 = vector.broadcast %add3A_20 : i32 to vector<16xi32>
    %add3A_22 = arith.addi %iota3A_19, %add3A_21 : vector<16xi32>
    %swap3A_23 = arith.constant 24 : index
    %swap3A_24 = tpu.vector_load %arg11[%swap3A_23] {strides = array<i32>} : memref<40xi32, #tpu.memory_space<vmem>>, vector<16xi32>,
    tpu.vector_store %arg11[%swap3A_23], %add3A_22 {strides = array<i32>} : memref<40xi32, #tpu.memory_space<vmem>>, vector<16xi32>,
    %broadcast_in_dim3A = arith.constant 0 : i32
    %broadcast_in_dim3A_25 = vector.broadcast %broadcast_in_dim3A : i32 to vector<16xi32>
    %broadcast_in_dim3A_26 = arith.constant 0.000000e+00 : f32
    %broadcast_in_dim3A_27 = vector.broadcast %broadcast_in_dim3A_26 : f32 to vector<16xf32>
    %scan3A = arith.constant 0 : i32
    %scan3A_28 = arith.constant 0 : i32
    %scan3A_29 = arith.constant 40 : i32
    %scan3A_30 = arith.addi %scan3A_28, %scan3A_29 : i32
    %scan3A_31 = arith.constant 1 : i32
    scf.for %scan3A_299 = %scan3A_28 to %scan3A_30 step %scan3A_31  : i32 {
      %swap3A_300 = arith.index_cast %scan3A_299 : i32 to index
      %swap3A_301 = arith.constant 0 : index
      %swap3A_302 = tpu.vector_load %arg10[%swap3A_300, %swap3A_301] {strides = array<i32>} : memref<40x128xi32, #tpu.memory_space<vmem>>, vector<16xi32>,
      tpu.vector_store %arg10[%swap3A_300, %swap3A_301], %broadcast_in_dim3A_25 {strides = array<i32>} : memref<40x128xi32, #tpu.memory_space<vmem>>, vector<16xi32>,
      %swap3A_303 = arith.index_cast %scan3A_299 : i32 to index
      %swap3A_304 = arith.constant 16 : index
      %swap3A_305 = tpu.vector_load %arg10[%swap3A_303, %swap3A_304] {strides = array<i32>} : memref<40x128xi32, #tpu.memory_space<vmem>>, vector<16xi32>,
      tpu.vector_store %arg10[%swap3A_303, %swap3A_304], %broadcast_in_dim3A_25 {strides = array<i32>} : memref<40x128xi32, #tpu.memory_space<vmem>>, vector<16xi32>,
      %swap3A_306 = arith.index_cast %scan3A_299 : i32 to index
      %swap3A_307 = arith.constant 32 : index
      %swap3A_308 = tpu.vector_load %arg10[%swap3A_306, %swap3A_307] {strides = array<i32>} : memref<40x128xi32, #tpu.memory_space<vmem>>, vector<16xi32>,
      tpu.vector_store %arg10[%swap3A_306, %swap3A_307], %broadcast_in_dim3A_25 {strides = array<i32>} : memref<40x128xi32, #tpu.memory_space<vmem>>, vector<16xi32>,
      %swap3A_309 = arith.index_cast %scan3A_299 : i32 to index
      %swap3A_310 = arith.constant 48 : index
      %swap3A_311 = tpu.vector_load %arg10[%swap3A_309, %swap3A_310] {strides = array<i32>} : memref<40x128xi32, #tpu.memory_space<vmem>>, vector<16xi32>,
      tpu.vector_store %arg10[%swap3A_309, %swap3A_310], %broadcast_in_dim3A_25 {strides = array<i32>} : memref<40x128xi32, #tpu.memory_space<vmem>>, vector<16xi32>,
      %swap3A_312 = arith.index_cast %scan3A_299 : i32 to index
      %swap3A_313 = arith.constant 64 : index
      %swap3A_314 = tpu.vector_load %arg10[%swap3A_312, %swap3A_313] {strides = array<i32>} : memref<40x128xi32, #tpu.memory_space<vmem>>, vector<16xi32>,
      tpu.vector_store %arg10[%swap3A_312, %swap3A_313], %broadcast_in_dim3A_25 {strides = array<i32>} : memref<40x128xi32, #tpu.memory_space<vmem>>, vector<16xi32>,
      %swap3A_315 = arith.index_cast %scan3A_299 : i32 to index
      %swap3A_316 = arith.constant 80 : index
      %swap3A_317 = tpu.vector_load %arg10[%swap3A_315, %swap3A_316] {strides = array<i32>} : memref<40x128xi32, #tpu.memory_space<vmem>>, vector<16xi32>,
      tpu.vector_store %arg10[%swap3A_315, %swap3A_316], %broadcast_in_dim3A_25 {strides = array<i32>} : memref<40x128xi32, #tpu.memory_space<vmem>>, vector<16xi32>,
      %swap3A_318 = arith.index_cast %scan3A_299 : i32 to index
      %swap3A_319 = arith.constant 96 : index
      %swap3A_320 = tpu.vector_load %arg10[%swap3A_318, %swap3A_319] {strides = array<i32>} : memref<40x128xi32, #tpu.memory_space<vmem>>, vector<16xi32>,
      tpu.vector_store %arg10[%swap3A_318, %swap3A_319], %broadcast_in_dim3A_25 {strides = array<i32>} : memref<40x128xi32, #tpu.memory_space<vmem>>, vector<16xi32>,
      %swap3A_321 = arith.index_cast %scan3A_299 : i32 to index
      %swap3A_322 = arith.constant 112 : index
      %swap3A_323 = tpu.vector_load %arg10[%swap3A_321, %swap3A_322] {strides = array<i32>} : memref<40x128xi32, #tpu.memory_space<vmem>>, vector<16xi32>,
      tpu.vector_store %arg10[%swap3A_321, %swap3A_322], %broadcast_in_dim3A_25 {strides = array<i32>} : memref<40x128xi32, #tpu.memory_space<vmem>>, vector<16xi32>,
    }
    %scan3A_32 = arith.constant 40 : i32
    %scan3A_33 = arith.constant 0 : i32
    %scan3A_34 = arith.constant 0 : i32
    %scan3A_35 = arith.constant 80 : i32
    %scan3A_36 = arith.addi %scan3A_34, %scan3A_35 : i32
    %scan3A_37 = arith.constant 1 : i32
    scf.for %scan3A_299 = %scan3A_34 to %scan3A_36 step %scan3A_37  : i32 {
      %swap3A_300 = arith.index_cast %scan3A_299 : i32 to index
      %swap3A_301 = arith.constant 0 : index
      %swap3A_302 = tpu.vector_load %arg7[%swap3A_300, %swap3A_301] {strides = array<i32>} : memref<80x128xf32, #tpu.memory_space<vmem>>, vector<16xf32>,
      tpu.vector_store %arg7[%swap3A_300, %swap3A_301], %broadcast_in_dim3A_27 {strides = array<i32>} : memref<80x128xf32, #tpu.memory_space<vmem>>, vector<16xf32>,
      %swap3A_303 = arith.index_cast %scan3A_299 : i32 to index
      %swap3A_304 = arith.constant 16 : index
      %swap3A_305 = tpu.vector_load %arg7[%swap3A_303, %swap3A_304] {strides = array<i32>} : memref<80x128xf32, #tpu.memory_space<vmem>>, vector<16xf32>,
      tpu.vector_store %arg7[%swap3A_303, %swap3A_304], %broadcast_in_dim3A_27 {strides = array<i32>} : memref<80x128xf32, #tpu.memory_space<vmem>>, vector<16xf32>,
      %swap3A_306 = arith.index_cast %scan3A_299 : i32 to index
      %swap3A_307 = arith.constant 32 : index
      %swap3A_308 = tpu.vector_load %arg7[%swap3A_306, %swap3A_307] {strides = array<i32>} : memref<80x128xf32, #tpu.memory_space<vmem>>, vector<16xf32>,
      tpu.vector_store %arg7[%swap3A_306, %swap3A_307], %broadcast_in_dim3A_27 {strides = array<i32>} : memref<80x128xf32, #tpu.memory_space<vmem>>, vector<16xf32>,
      %swap3A_309 = arith.index_cast %scan3A_299 : i32 to index
      %swap3A_310 = arith.constant 48 : index
      %swap3A_311 = tpu.vector_load %arg7[%swap3A_309, %swap3A_310] {strides = array<i32>} : memref<80x128xf32, #tpu.memory_space<vmem>>, vector<16xf32>,
      tpu.vector_store %arg7[%swap3A_309, %swap3A_310], %broadcast_in_dim3A_27 {strides = array<i32>} : memref<80x128xf32, #tpu.memory_space<vmem>>, vector<16xf32>,
      %swap3A_312 = arith.index_cast %scan3A_299 : i32 to index
      %swap3A_313 = arith.constant 64 : index
      %swap3A_314 = tpu.vector_load %arg7[%swap3A_312, %swap3A_313] {strides = array<i32>} : memref<80x128xf32, #tpu.memory_space<vmem>>, vector<16xf32>,
      tpu.vector_store %arg7[%swap3A_312, %swap3A_313], %broadcast_in_dim3A_27 {strides = array<i32>} : memref<80x128xf32, #tpu.memory_space<vmem>>, vector<16xf32>,
      %swap3A_315 = arith.index_cast %scan3A_299 : i32 to index
      %swap3A_316 = arith.constant 80 : index
      %swap3A_317 = tpu.vector_load %arg7[%swap3A_315, %swap3A_316] {strides = array<i32>} : memref<80x128xf32, #tpu.memory_space<vmem>>, vector<16xf32>,
      tpu.vector_store %arg7[%swap3A_315, %swap3A_316], %broadcast_in_dim3A_27 {strides = array<i32>} : memref<80x128xf32, #tpu.memory_space<vmem>>, vector<16xf32>,
      %swap3A_318 = arith.index_cast %scan3A_299 : i32 to index
      %swap3A_319 = arith.constant 96 : index
      %swap3A_320 = tpu.vector_load %arg7[%swap3A_318, %swap3A_319] {strides = array<i32>} : memref<80x128xf32, #tpu.memory_space<vmem>>, vector<16xf32>,
      tpu.vector_store %arg7[%swap3A_318, %swap3A_319], %broadcast_in_dim3A_27 {strides = array<i32>} : memref<80x128xf32, #tpu.memory_space<vmem>>, vector<16xf32>,
      %swap3A_321 = arith.index_cast %scan3A_299 : i32 to index
      %swap3A_322 = arith.constant 112 : index
      %swap3A_323 = tpu.vector_load %arg7[%swap3A_321, %swap3A_322] {strides = array<i32>} : memref<80x128xf32, #tpu.memory_space<vmem>>, vector<16xf32>,
      tpu.vector_store %arg7[%swap3A_321, %swap3A_322], %broadcast_in_dim3A_27 {strides = array<i32>} : memref<80x128xf32, #tpu.memory_space<vmem>>, vector<16xf32>,
    }
    %scan3A_38 = arith.constant 80 : i32
    %add3A_39 = arith.constant 0 : i32
    %add3A_40 = arith.addi %mul3A_2, %add3A_39 : i32
    "tpu.region"() ({
      %run_scoped3A_299 = tpu.sem_alloc : memref<!tpu.dma_semaphore, #tpu.memory_space<semaphore_mem>>
      %dma_start3A_300 = arith.constant 0 : i32
      %dma_start3A_301 = tpu.memref_slice %arg12[%add3A_40, %dma_start3A_300] : memref<10240x128xf32, #tpu.memory_space<vmem_shared>> -> memref<80x128xf32, #tpu.memory_space<vmem_shared>>
      %dma_start3A_302 = arith.constant 0 : i32
      %dma_start3A_303 = tpu.memref_slice %arg12[%add3A_40, %dma_start3A_302] : memref<10240x128xf32, #tpu.memory_space<vmem_shared>> -> memref<80x128xf32, #tpu.memory_space<vmem_shared>>
      tpu.enqueue_dma source(%arg7 : memref<80x128xf32, #tpu.memory_space<vmem>>) target(%dma_start3A_303 : memref<80x128xf32, #tpu.memory_space<vmem_shared>>) target_semaphore(%run_scoped3A_299 : memref<!tpu.dma_semaphore, #tpu.memory_space<semaphore_mem>>)
      %dma_wait3A_304 = arith.constant 0 : i32
      %dma_wait3A_305 = tpu.memref_slice %arg12[%add3A_40, %dma_wait3A_304] : memref<10240x128xf32, #tpu.memory_space<vmem_shared>> -> memref<80x128xf32, #tpu.memory_space<vmem_shared>>
      %dma_wait3A_306 = arith.constant 0 : i32
      %dma_wait3A_307 = tpu.memref_slice %arg12[%add3A_40, %dma_wait3A_306] : memref<10240x128xf32, #tpu.memory_space<vmem_shared>> -> memref<80x128xf32, #tpu.memory_space<vmem_shared>>
      tpu.wait_dma2 semaphore(%run_scoped3A_299 : memref<!tpu.dma_semaphore, #tpu.memory_space<semaphore_mem>>) src(%arg7 : memref<80x128xf32, #tpu.memory_space<vmem>>) dst(%dma_wait3A_307 : memref<80x128xf32, #tpu.memory_space<vmem_shared>>)
      tpu.yield
    }) : () -> ()
    %add3A_41 = arith.constant 80 : i32
    %add3A_42 = arith.addi %mul3A_2, %add3A_41 : i32
    "tpu.region"() ({
      %run_scoped3A_299 = tpu.sem_alloc : memref<!tpu.dma_semaphore, #tpu.memory_space<semaphore_mem>>
      %dma_start3A_300 = arith.constant 0 : i32
      %dma_start3A_301 = tpu.memref_slice %arg12[%add3A_42, %dma_start3A_300] : memref<10240x128xf32, #tpu.memory_space<vmem_shared>> -> memref<80x128xf32, #tpu.memory_space<vmem_shared>>
      %dma_start3A_302 = arith.constant 0 : i32
      %dma_start3A_303 = tpu.memref_slice %arg12[%add3A_42, %dma_start3A_302] : memref<10240x128xf32, #tpu.memory_space<vmem_shared>> -> memref<80x128xf32, #tpu.memory_space<vmem_shared>>
      tpu.enqueue_dma source(%arg7 : memref<80x128xf32, #tpu.memory_space<vmem>>) target(%dma_start3A_303 : memref<80x128xf32, #tpu.memory_space<vmem_shared>>) target_semaphore(%run_scoped3A_299 : memref<!tpu.dma_semaphore, #tpu.memory_space<semaphore_mem>>)
      %dma_wait3A_304 = arith.constant 0 : i32
      %dma_wait3A_305 = tpu.memref_slice %arg12[%add3A_42, %dma_wait3A_304] : memref<10240x128xf32, #tpu.memory_space<vmem_shared>> -> memref<80x128xf32, #tpu.memory_space<vmem_shared>>
      %dma_wait3A_306 = arith.constant 0 : i32
      %dma_wait3A_307 = tpu.memref_slice %arg12[%add3A_42, %dma_wait3A_306] : memref<10240x128xf32, #tpu.memory_space<vmem_shared>> -> memref<80x128xf32, #tpu.memory_space<vmem_shared>>
      tpu.wait_dma2 semaphore(%run_scoped3A_299 : memref<!tpu.dma_semaphore, #tpu.memory_space<semaphore_mem>>) src(%arg7 : memref<80x128xf32, #tpu.memory_space<vmem>>) dst(%dma_wait3A_307 : memref<80x128xf32, #tpu.memory_space<vmem_shared>>)
      tpu.yield
    }) : () -> ()
    %add3A_43 = arith.constant 160 : i32
    %add3A_44 = arith.addi %mul3A_2, %add3A_43 : i32
    "tpu.region"() ({
      %run_scoped3A_299 = tpu.sem_alloc : memref<!tpu.dma_semaphore, #tpu.memory_space<semaphore_mem>>
      %dma_start3A_300 = arith.constant 0 : i32
      %dma_start3A_301 = tpu.memref_slice %arg12[%add3A_44, %dma_start3A_300] : memref<10240x128xf32, #tpu.memory_space<vmem_shared>> -> memref<80x128xf32, #tpu.memory_space<vmem_shared>>
      %dma_start3A_302 = arith.constant 0 : i32
      %dma_start3A_303 = tpu.memref_slice %arg12[%add3A_44, %dma_start3A_302] : memref<10240x128xf32, #tpu.memory_space<vmem_shared>> -> memref<80x128xf32, #tpu.memory_space<vmem_shared>>
      tpu.enqueue_dma source(%arg7 : memref<80x128xf32, #tpu.memory_space<vmem>>) target(%dma_start3A_303 : memref<80x128xf32, #tpu.memory_space<vmem_shared>>) target_semaphore(%run_scoped3A_299 : memref<!tpu.dma_semaphore, #tpu.memory_space<semaphore_mem>>)
      %dma_wait3A_304 = arith.constant 0 : i32
      %dma_wait3A_305 = tpu.memref_slice %arg12[%add3A_44, %dma_wait3A_304] : memref<10240x128xf32, #tpu.memory_space<vmem_shared>> -> memref<80x128xf32, #tpu.memory_space<vmem_shared>>
      %dma_wait3A_306 = arith.constant 0 : i32
      %dma_wait3A_307 = tpu.memref_slice %arg12[%add3A_44, %dma_wait3A_306] : memref<10240x128xf32, #tpu.memory_space<vmem_shared>> -> memref<80x128xf32, #tpu.memory_space<vmem_shared>>
      tpu.wait_dma2 semaphore(%run_scoped3A_299 : memref<!tpu.dma_semaphore, #tpu.memory_space<semaphore_mem>>) src(%arg7 : memref<80x128xf32, #tpu.memory_space<vmem>>) dst(%dma_wait3A_307 : memref<80x128xf32, #tpu.memory_space<vmem_shared>>)
      tpu.yield
    }) : () -> ()
    %add3A_45 = arith.constant 240 : i32
    %add3A_46 = arith.addi %mul3A_2, %add3A_45 : i32
    "tpu.region"() ({
      %run_scoped3A_299 = tpu.sem_alloc : memref<!tpu.dma_semaphore, #tpu.memory_space<semaphore_mem>>
      %dma_start3A_300 = arith.constant 0 : i32
      %dma_start3A_301 = tpu.memref_slice %arg12[%add3A_46, %dma_start3A_300] : memref<10240x128xf32, #tpu.memory_space<vmem_shared>> -> memref<80x128xf32, #tpu.memory_space<vmem_shared>>
      %dma_start3A_302 = arith.constant 0 : i32
      %dma_start3A_303 = tpu.memref_slice %arg12[%add3A_46, %dma_start3A_302] : memref<10240x128xf32, #tpu.memory_space<vmem_shared>> -> memref<80x128xf32, #tpu.memory_space<vmem_shared>>
      tpu.enqueue_dma source(%arg7 : memref<80x128xf32, #tpu.memory_space<vmem>>) target(%dma_start3A_303 : memref<80x128xf32, #tpu.memory_space<vmem_shared>>) target_semaphore(%run_scoped3A_299 : memref<!tpu.dma_semaphore, #tpu.memory_space<semaphore_mem>>)
      %dma_wait3A_304 = arith.constant 0 : i32
      %dma_wait3A_305 = tpu.memref_slice %arg12[%add3A_46, %dma_wait3A_304] : memref<10240x128xf32, #tpu.memory_space<vmem_shared>> -> memref<80x128xf32, #tpu.memory_space<vmem_shared>>
      %dma_wait3A_306 = arith.constant 0 : i32
      %dma_wait3A_307 = tpu.memref_slice %arg12[%add3A_46, %dma_wait3A_306] : memref<10240x128xf32, #tpu.memory_space<vmem_shared>> -> memref<80x128xf32, #tpu.memory_space<vmem_shared>>
      tpu.wait_dma2 semaphore(%run_scoped3A_299 : memref<!tpu.dma_semaphore, #tpu.memory_space<semaphore_mem>>) src(%arg7 : memref<80x128xf32, #tpu.memory_space<vmem>>) dst(%dma_wait3A_307 : memref<80x128xf32, #tpu.memory_space<vmem_shared>>)
      tpu.yield
    }) : () -> ()
    %add3A_47 = arith.constant 320 : i32
    %add3A_48 = arith.addi %mul3A_2, %add3A_47 : i32
    "tpu.region"() ({
      %run_scoped3A_299 = tpu.sem_alloc : memref<!tpu.dma_semaphore, #tpu.memory_space<semaphore_mem>>
      %dma_start3A_300 = arith.constant 0 : i32
      %dma_start3A_301 = tpu.memref_slice %arg12[%add3A_48, %dma_start3A_300] : memref<10240x128xf32, #tpu.memory_space<vmem_shared>> -> memref<80x128xf32, #tpu.memory_space<vmem_shared>>
      %dma_start3A_302 = arith.constant 0 : i32
      %dma_start3A_303 = tpu.memref_slice %arg12[%add3A_48, %dma_start3A_302] : memref<10240x128xf32, #tpu.memory_space<vmem_shared>> -> memref<80x128xf32, #tpu.memory_space<vmem_shared>>
      tpu.enqueue_dma source(%arg7 : memref<80x128xf32, #tpu.memory_space<vmem>>) target(%dma_start3A_303 : memref<80x128xf32, #tpu.memory_space<vmem_shared>>) target_semaphore(%run_scoped3A_299 : memref<!tpu.dma_semaphore, #tpu.memory_space<semaphore_mem>>)
      %dma_wait3A_304 = arith.constant 0 : i32
      %dma_wait3A_305 = tpu.memref_slice %arg12[%add3A_48, %dma_wait3A_304] : memref<10240x128xf32, #tpu.memory_space<vmem_shared>> -> memref<80x128xf32, #tpu.memory_space<vmem_shared>>
      %dma_wait3A_306 = arith.constant 0 : i32
      %dma_wait3A_307 = tpu.memref_slice %arg12[%add3A_48, %dma_wait3A_306] : memref<10240x128xf32, #tpu.memory_space<vmem_shared>> -> memref<80x128xf32, #tpu.memory_space<vmem_shared>>
      tpu.wait_dma2 semaphore(%run_scoped3A_299 : memref<!tpu.dma_semaphore, #tpu.memory_space<semaphore_mem>>) src(%arg7 : memref<80x128xf32, #tpu.memory_space<vmem>>) dst(%dma_wait3A_307 : memref<80x128xf32, #tpu.memory_space<vmem_shared>>)
      tpu.yield
    }) : () -> ()
    %add3A_49 = arith.constant 400 : i32
    %add3A_50 = arith.addi %mul3A_2, %add3A_49 : i32
    "tpu.region"() ({
      %run_scoped3A_299 = tpu.sem_alloc : memref<!tpu.dma_semaphore, #tpu.memory_space<semaphore_mem>>
      %dma_start3A_300 = arith.constant 0 : i32
      %dma_start3A_301 = tpu.memref_slice %arg12[%add3A_50, %dma_start3A_300] : memref<10240x128xf32, #tpu.memory_space<vmem_shared>> -> memref<80x128xf32, #tpu.memory_space<vmem_shared>>
      %dma_start3A_302 = arith.constant 0 : i32
      %dma_start3A_303 = tpu.memref_slice %arg12[%add3A_50, %dma_start3A_302] : memref<10240x128xf32, #tpu.memory_space<vmem_shared>> -> memref<80x128xf32, #tpu.memory_space<vmem_shared>>
      tpu.enqueue_dma source(%arg7 : memref<80x128xf32, #tpu.memory_space<vmem>>) target(%dma_start3A_303 : memref<80x128xf32, #tpu.memory_space<vmem_shared>>) target_semaphore(%run_scoped3A_299 : memref<!tpu.dma_semaphore, #tpu.memory_space<semaphore_mem>>)
      %dma_wait3A_304 = arith.constant 0 : i32
      %dma_wait3A_305 = tpu.memref_slice %arg12[%add3A_50, %dma_wait3A_304] : memref<10240x128xf32, #tpu.memory_space<vmem_shared>> -> memref<80x128xf32, #tpu.memory_space<vmem_shared>>
      %dma_wait3A_306 = arith.constant 0 : i32
      %dma_wait3A_307 = tpu.memref_slice %arg12[%add3A_50, %dma_wait3A_306] : memref<10240x128xf32, #tpu.memory_space<vmem_shared>> -> memref<80x128xf32, #tpu.memory_space<vmem_shared>>
      tpu.wait_dma2 semaphore(%run_scoped3A_299 : memref<!tpu.dma_semaphore, #tpu.memory_space<semaphore_mem>>) src(%arg7 : memref<80x128xf32, #tpu.memory_space<vmem>>) dst(%dma_wait3A_307 : memref<80x128xf32, #tpu.memory_space<vmem_shared>>)
      tpu.yield
    }) : () -> ()
    %add3A_51 = arith.constant 480 : i32
    %add3A_52 = arith.addi %mul3A_2, %add3A_51 : i32
    "tpu.region"() ({
      %run_scoped3A_299 = tpu.sem_alloc : memref<!tpu.dma_semaphore, #tpu.memory_space<semaphore_mem>>
      %dma_start3A_300 = arith.constant 0 : i32
      %dma_start3A_301 = tpu.memref_slice %arg12[%add3A_52, %dma_start3A_300] : memref<10240x128xf32, #tpu.memory_space<vmem_shared>> -> memref<80x128xf32, #tpu.memory_space<vmem_shared>>
      %dma_start3A_302 = arith.constant 0 : i32
      %dma_start3A_303 = tpu.memref_slice %arg12[%add3A_52, %dma_start3A_302] : memref<10240x128xf32, #tpu.memory_space<vmem_shared>> -> memref<80x128xf32, #tpu.memory_space<vmem_shared>>
      tpu.enqueue_dma source(%arg7 : memref<80x128xf32, #tpu.memory_space<vmem>>) target(%dma_start3A_303 : memref<80x128xf32, #tpu.memory_space<vmem_shared>>) target_semaphore(%run_scoped3A_299 : memref<!tpu.dma_semaphore, #tpu.memory_space<semaphore_mem>>)
      %dma_wait3A_304 = arith.constant 0 : i32
      %dma_wait3A_305 = tpu.memref_slice %arg12[%add3A_52, %dma_wait3A_304] : memref<10240x128xf32, #tpu.memory_space<vmem_shared>> -> memref<80x128xf32, #tpu.memory_space<vmem_shared>>
      %dma_wait3A_306 = arith.constant 0 : i32
      %dma_wait3A_307 = tpu.memref_slice %arg12[%add3A_52, %dma_wait3A_306] : memref<10240x128xf32, #tpu.memory_space<vmem_shared>> -> memref<80x128xf32, #tpu.memory_space<vmem_shared>>
      tpu.wait_dma2 semaphore(%run_scoped3A_299 : memref<!tpu.dma_semaphore, #tpu.memory_space<semaphore_mem>>) src(%arg7 : memref<80x128xf32, #tpu.memory_space<vmem>>) dst(%dma_wait3A_307 : memref<80x128xf32, #tpu.memory_space<vmem_shared>>)
      tpu.yield
    }) : () -> ()
    %add3A_53 = arith.constant 560 : i32
    %add3A_54 = arith.addi %mul3A_2, %add3A_53 : i32
    "tpu.region"() ({
      %run_scoped3A_299 = tpu.sem_alloc : memref<!tpu.dma_semaphore, #tpu.memory_space<semaphore_mem>>
      %dma_start3A_300 = arith.constant 0 : i32
      %dma_start3A_301 = tpu.memref_slice %arg12[%add3A_54, %dma_start3A_300] : memref<10240x128xf32, #tpu.memory_space<vmem_shared>> -> memref<80x128xf32, #tpu.memory_space<vmem_shared>>
      %dma_start3A_302 = arith.constant 0 : i32
      %dma_start3A_303 = tpu.memref_slice %arg12[%add3A_54, %dma_start3A_302] : memref<10240x128xf32, #tpu.memory_space<vmem_shared>> -> memref<80x128xf32, #tpu.memory_space<vmem_shared>>
      tpu.enqueue_dma source(%arg7 : memref<80x128xf32, #tpu.memory_space<vmem>>) target(%dma_start3A_303 : memref<80x128xf32, #tpu.memory_space<vmem_shared>>) target_semaphore(%run_scoped3A_299 : memref<!tpu.dma_semaphore, #tpu.memory_space<semaphore_mem>>)
      %dma_wait3A_304 = arith.constant 0 : i32
      %dma_wait3A_305 = tpu.memref_slice %arg12[%add3A_54, %dma_wait3A_304] : memref<10240x128xf32, #tpu.memory_space<vmem_shared>> -> memref<80x128xf32, #tpu.memory_space<vmem_shared>>
      %dma_wait3A_306 = arith.constant 0 : i32
      %dma_wait3A_307 = tpu.memref_slice %arg12[%add3A_54, %dma_wait3A_306] : memref<10240x128xf32, #tpu.memory_space<vmem_shared>> -> memref<80x128xf32, #tpu.memory_space<vmem_shared>>
      tpu.wait_dma2 semaphore(%run_scoped3A_299 : memref<!tpu.dma_semaphore, #tpu.memory_space<semaphore_mem>>) src(%arg7 : memref<80x128xf32, #tpu.memory_space<vmem>>) dst(%dma_wait3A_307 : memref<80x128xf32, #tpu.memory_space<vmem_shared>>)
      tpu.yield
    }) : () -> ()
    %eq3A = arith.constant 0 : i32
    %eq3A_55 = arith.cmpi eq, %arg1, %eq3A : i32
    %convert_element_type3A = arith.extui %eq3A_55 : i1 to i32
    %cond3A = arith.constant 0 : i32
    %cond3A_56 = arith.cmpi ne, %convert_element_type3A, %cond3A : i32
    scf.if %cond3A_56 {
      "tpu.region"() ({
        %run_scoped3A_299 = tpu.sem_alloc : memref<!tpu.dma_semaphore, #tpu.memory_space<semaphore_mem>>
        tpu.enqueue_dma source(%arg10 : memref<40x128xi32, #tpu.memory_space<vmem>>) target(%arg13 : memref<40x128xi32, #tpu.memory_space<vmem_shared>>) target_semaphore(%run_scoped3A_299 : memref<!tpu.dma_semaphore, #tpu.memory_space<semaphore_mem>>)
        tpu.wait_dma2 semaphore(%run_scoped3A_299 : memref<!tpu.dma_semaphore, #tpu.memory_space<semaphore_mem>>) src(%arg10 : memref<40x128xi32, #tpu.memory_space<vmem>>) dst(%arg13 : memref<40x128xi32, #tpu.memory_space<vmem_shared>>)
        tpu.yield
      }) : () -> ()
    } else {
    }
    %dma_wait3A = arith.constant 0 : i32
    %dma_wait3A_57 = arith.constant 0 : i32
    %dma_wait3A_58 = tpu.memref_slice %arg2[%add3A, %dma_wait3A, %dma_wait3A_57] : memref<32x125x80xi32, #tpu.memory_space<hbm>> -> memref<1x125x80xi32, #tpu.memory_space<hbm>>
    %dma_wait3A_59 = tpu.memref_squeeze %dma_wait3A_58 : memref<1x125x80xi32, #tpu.memory_space<hbm>> -> memref<125x80xi32, #tpu.memory_space<hbm>>
    %dma_wait3A_60 = arith.constant 0 : i32
    %dma_wait3A_61 = arith.constant 0 : i32
    %dma_wait3A_62 = tpu.memref_slice %arg2[%add3A, %dma_wait3A_60, %dma_wait3A_61] : memref<32x125x80xi32, #tpu.memory_space<hbm>> -> memref<1x125x80xi32, #tpu.memory_space<hbm>>
    %dma_wait3A_63 = tpu.memref_squeeze %dma_wait3A_62 : memref<1x125x80xi32, #tpu.memory_space<hbm>> -> memref<125x80xi32, #tpu.memory_space<hbm>>
    tpu.wait_dma2 semaphore(%arg14 : memref<!tpu.dma_semaphore, #tpu.memory_space<semaphore_mem>>) src(%dma_wait3A_63 : memref<125x80xi32, #tpu.memory_space<hbm>>) dst(%arg6 : memref<125x80xi32, #tpu.memory_space<vmem>>)
    %barrier3A = arith.constant 0 : index
    tpu.barrier barrier_id(%barrier3A)
    %broadcast_in_dim3A_64 = arith.constant 1 : i32
    %broadcast_in_dim3A_65 = vector.broadcast %broadcast_in_dim3A_64 : i32 to vector<16xi32>
    %add3A_66 = arith.constant 0 : i32
    %add3A_67 = arith.addi %mul3A_4, %add3A_66 : i32
    %dma_start3A_68 = arith.constant 0 : i32
    %dma_start3A_69 = tpu.memref_slice %arg3[%add3A_67, %dma_start3A_68] : memref<320000x128xf32, #tpu.memory_space<hbm>> -> memref<80x128xf32, #tpu.memory_space<hbm>>
    %dma_start3A_70 = arith.constant 0 : i32
    %dma_start3A_71 = tpu.memref_slice %arg3[%add3A_67, %dma_start3A_70] : memref<320000x128xf32, #tpu.memory_space<hbm>> -> memref<80x128xf32, #tpu.memory_space<hbm>>
    tpu.enqueue_dma source(%dma_start3A_71 : memref<80x128xf32, #tpu.memory_space<hbm>>) target(%arg7 : memref<80x128xf32, #tpu.memory_space<vmem>>) target_semaphore(%arg14 : memref<!tpu.dma_semaphore, #tpu.memory_space<semaphore_mem>>)
    %add3A_72 = arith.constant 80 : i32
    %add3A_73 = arith.addi %mul3A_4, %add3A_72 : i32
    %dma_start3A_74 = arith.constant 0 : i32
    %dma_start3A_75 = tpu.memref_slice %arg3[%add3A_73, %dma_start3A_74] : memref<320000x128xf32, #tpu.memory_space<hbm>> -> memref<80x128xf32, #tpu.memory_space<hbm>>
    %dma_start3A_76 = arith.constant 0 : i32
    %dma_start3A_77 = tpu.memref_slice %arg3[%add3A_73, %dma_start3A_76] : memref<320000x128xf32, #tpu.memory_space<hbm>> -> memref<80x128xf32, #tpu.memory_space<hbm>>
    tpu.enqueue_dma source(%dma_start3A_77 : memref<80x128xf32, #tpu.memory_space<hbm>>) target(%arg8 : memref<80x128xf32, #tpu.memory_space<vmem>>) target_semaphore(%arg15 : memref<!tpu.dma_semaphore, #tpu.memory_space<semaphore_mem>>)
    %scan3A_78 = arith.constant 0 : i32
    %scan3A_79 = arith.constant 0 : i32
    %scan3A_80 = arith.constant 41 : i32
    %scan3A_81 = arith.addi %scan3A_79, %scan3A_80 : i32
    %scan3A_82 = arith.constant 1 : i32
    scf.for %scan3A_299 = %scan3A_79 to %scan3A_81 step %scan3A_82  : i32 {
      %mul3A_300 = arith.constant 3 : i32
      %mul3A_301 = arith.muli %mul3A_300, %scan3A_299 : i32
      %add3A_302 = arith.constant 2 : i32
      %add3A_303 = arith.addi %mul3A_301, %add3A_302 : i32
      %mul3A_304 = arith.constant 80 : i32
      %mul3A_305 = arith.muli %add3A_303, %mul3A_304 : i32
      %add3A_306 = arith.addi %mul3A_4, %mul3A_305 : i32
      %dma_start3A_307 = arith.constant 0 : i32
      %dma_start3A_308 = tpu.memref_slice %arg3[%add3A_306, %dma_start3A_307] : memref<320000x128xf32, #tpu.memory_space<hbm>> -> memref<80x128xf32, #tpu.memory_space<hbm>>
      %dma_start3A_309 = arith.constant 0 : i32
      %dma_start3A_310 = tpu.memref_slice %arg3[%add3A_306, %dma_start3A_309] : memref<320000x128xf32, #tpu.memory_space<hbm>> -> memref<80x128xf32, #tpu.memory_space<hbm>>
      tpu.enqueue_dma source(%dma_start3A_310 : memref<80x128xf32, #tpu.memory_space<hbm>>) target(%arg9 : memref<80x128xf32, #tpu.memory_space<vmem>>) target_semaphore(%arg16 : memref<!tpu.dma_semaphore, #tpu.memory_space<semaphore_mem>>)
      %get3A_311 = arith.index_cast %mul3A_301 : i32 to index
      %get3A_312 = arith.constant 0 : index
      %get3A_313 = tpu.vector_load %arg6[%get3A_311, %get3A_312] {strides = array<i32>} : memref<125x80xi32, #tpu.memory_space<vmem>>, vector<16xi32>,
      %shift_right_logical3A_314 = arith.constant 8 : i32
      %shift_right_logical3A_315 = vector.broadcast %shift_right_logical3A_314 : i32 to vector<16xi32>
      %shift_right_logical3A_316 = arith.shrui %get3A_313, %shift_right_logical3A_315 : vector<16xi32>
      %shift_right_logical3A_317 = arith.constant 1 : i32
      %shift_right_logical3A_318 = vector.broadcast %shift_right_logical3A_317 : i32 to vector<16xi32>
      %shift_right_logical3A_319 = arith.shrui %get3A_313, %shift_right_logical3A_318 : vector<16xi32>
      %and3A_320 = arith.constant 127 : i32
      %and3A_321 = vector.broadcast %and3A_320 : i32 to vector<16xi32>
      %and3A_322 = arith.andi %shift_right_logical3A_319, %and3A_321 : vector<16xi32>
      %and3A_323 = arith.constant 1 : i32
      %and3A_324 = vector.broadcast %and3A_323 : i32 to vector<16xi32>
      %and3A_325 = arith.andi %get3A_313, %and3A_324 : vector<16xi32>
      %shift_left3A_326 = arith.constant 4 : i32
      %shift_left3A_327 = vector.broadcast %shift_left3A_326 : i32 to vector<16xi32>
      %shift_left3A_328 = arith.shli %and3A_325, %shift_left3A_327 : vector<16xi32>
      %shift_left3A_329 = arith.shli %broadcast_in_dim3A_65, %shift_left3A_328 : vector<16xi32>
      tpu.vector_store_idx %arg10[%shift_right_logical3A_316, %and3A_322], %shift_left3A_329 {add = true} : memref<40x128xi32, #tpu.memory_space<vmem>>[vector<16xi32>, vector<16xi32>], vector<16xi32>,
      %get3A_330 = arith.index_cast %mul3A_301 : i32 to index
      %get3A_331 = arith.constant 16 : index
      %get3A_332 = tpu.vector_load %arg6[%get3A_330, %get3A_331] {strides = array<i32>} : memref<125x80xi32, #tpu.memory_space<vmem>>, vector<16xi32>,
      %shift_right_logical3A_333 = arith.constant 8 : i32
      %shift_right_logical3A_334 = vector.broadcast %shift_right_logical3A_333 : i32 to vector<16xi32>
      %shift_right_logical3A_335 = arith.shrui %get3A_332, %shift_right_logical3A_334 : vector<16xi32>
      %shift_right_logical3A_336 = arith.constant 1 : i32
      %shift_right_logical3A_337 = vector.broadcast %shift_right_logical3A_336 : i32 to vector<16xi32>
      %shift_right_logical3A_338 = arith.shrui %get3A_332, %shift_right_logical3A_337 : vector<16xi32>
      %and3A_339 = arith.constant 127 : i32
      %and3A_340 = vector.broadcast %and3A_339 : i32 to vector<16xi32>
      %and3A_341 = arith.andi %shift_right_logical3A_338, %and3A_340 : vector<16xi32>
      %and3A_342 = arith.constant 1 : i32
      %and3A_343 = vector.broadcast %and3A_342 : i32 to vector<16xi32>
      %and3A_344 = arith.andi %get3A_332, %and3A_343 : vector<16xi32>
      %shift_left3A_345 = arith.constant 4 : i32
      %shift_left3A_346 = vector.broadcast %shift_left3A_345 : i32 to vector<16xi32>
      %shift_left3A_347 = arith.shli %and3A_344, %shift_left3A_346 : vector<16xi32>
      %shift_left3A_348 = arith.shli %broadcast_in_dim3A_65, %shift_left3A_347 : vector<16xi32>
      tpu.vector_store_idx %arg10[%shift_right_logical3A_335, %and3A_341], %shift_left3A_348 {add = true} : memref<40x128xi32, #tpu.memory_space<vmem>>[vector<16xi32>, vector<16xi32>], vector<16xi32>,
      %get3A_349 = arith.index_cast %mul3A_301 : i32 to index
      %get3A_350 = arith.constant 32 : index
      %get3A_351 = tpu.vector_load %arg6[%get3A_349, %get3A_350] {strides = array<i32>} : memref<125x80xi32, #tpu.memory_space<vmem>>, vector<16xi32>,
      %shift_right_logical3A_352 = arith.constant 8 : i32
      %shift_right_logical3A_353 = vector.broadcast %shift_right_logical3A_352 : i32 to vector<16xi32>
      %shift_right_logical3A_354 = arith.shrui %get3A_351, %shift_right_logical3A_353 : vector<16xi32>
      %shift_right_logical3A_355 = arith.constant 1 : i32
      %shift_right_logical3A_356 = vector.broadcast %shift_right_logical3A_355 : i32 to vector<16xi32>
      %shift_right_logical3A_357 = arith.shrui %get3A_351, %shift_right_logical3A_356 : vector<16xi32>
      %and3A_358 = arith.constant 127 : i32
      %and3A_359 = vector.broadcast %and3A_358 : i32 to vector<16xi32>
      %and3A_360 = arith.andi %shift_right_logical3A_357, %and3A_359 : vector<16xi32>
      %and3A_361 = arith.constant 1 : i32
      %and3A_362 = vector.broadcast %and3A_361 : i32 to vector<16xi32>
      %and3A_363 = arith.andi %get3A_351, %and3A_362 : vector<16xi32>
      %shift_left3A_364 = arith.constant 4 : i32
      %shift_left3A_365 = vector.broadcast %shift_left3A_364 : i32 to vector<16xi32>
      %shift_left3A_366 = arith.shli %and3A_363, %shift_left3A_365 : vector<16xi32>
      %shift_left3A_367 = arith.shli %broadcast_in_dim3A_65, %shift_left3A_366 : vector<16xi32>
      tpu.vector_store_idx %arg10[%shift_right_logical3A_354, %and3A_360], %shift_left3A_367 {add = true} : memref<40x128xi32, #tpu.memory_space<vmem>>[vector<16xi32>, vector<16xi32>], vector<16xi32>,
      %get3A_368 = arith.index_cast %mul3A_301 : i32 to index
      %get3A_369 = arith.constant 48 : index
      %get3A_370 = tpu.vector_load %arg6[%get3A_368, %get3A_369] {strides = array<i32>} : memref<125x80xi32, #tpu.memory_space<vmem>>, vector<16xi32>,
      %shift_right_logical3A_371 = arith.constant 8 : i32
      %shift_right_logical3A_372 = vector.broadcast %shift_right_logical3A_371 : i32 to vector<16xi32>
      %shift_right_logical3A_373 = arith.shrui %get3A_370, %shift_right_logical3A_372 : vector<16xi32>
      %shift_right_logical3A_374 = arith.constant 1 : i32
      %shift_right_logical3A_375 = vector.broadcast %shift_right_logical3A_374 : i32 to vector<16xi32>
      %shift_right_logical3A_376 = arith.shrui %get3A_370, %shift_right_logical3A_375 : vector<16xi32>
      %and3A_377 = arith.constant 127 : i32
      %and3A_378 = vector.broadcast %and3A_377 : i32 to vector<16xi32>
      %and3A_379 = arith.andi %shift_right_logical3A_376, %and3A_378 : vector<16xi32>
      %and3A_380 = arith.constant 1 : i32
      %and3A_381 = vector.broadcast %and3A_380 : i32 to vector<16xi32>
      %and3A_382 = arith.andi %get3A_370, %and3A_381 : vector<16xi32>
      %shift_left3A_383 = arith.constant 4 : i32
      %shift_left3A_384 = vector.broadcast %shift_left3A_383 : i32 to vector<16xi32>
      %shift_left3A_385 = arith.shli %and3A_382, %shift_left3A_384 : vector<16xi32>
      %shift_left3A_386 = arith.shli %broadcast_in_dim3A_65, %shift_left3A_385 : vector<16xi32>
      tpu.vector_store_idx %arg10[%shift_right_logical3A_373, %and3A_379], %shift_left3A_386 {add = true} : memref<40x128xi32, #tpu.memory_space<vmem>>[vector<16xi32>, vector<16xi32>], vector<16xi32>,
      %get3A_387 = arith.index_cast %mul3A_301 : i32 to index
      %get3A_388 = arith.constant 64 : index
      %get3A_389 = tpu.vector_load %arg6[%get3A_387, %get3A_388] {strides = array<i32>} : memref<125x80xi32, #tpu.memory_space<vmem>>, vector<16xi32>,
      %shift_right_logical3A_390 = arith.constant 8 : i32
      %shift_right_logical3A_391 = vector.broadcast %shift_right_logical3A_390 : i32 to vector<16xi32>
      %shift_right_logical3A_392 = arith.shrui %get3A_389, %shift_right_logical3A_391 : vector<16xi32>
      %shift_right_logical3A_393 = arith.constant 1 : i32
      %shift_right_logical3A_394 = vector.broadcast %shift_right_logical3A_393 : i32 to vector<16xi32>
      %shift_right_logical3A_395 = arith.shrui %get3A_389, %shift_right_logical3A_394 : vector<16xi32>
      %and3A_396 = arith.constant 127 : i32
      %and3A_397 = vector.broadcast %and3A_396 : i32 to vector<16xi32>
      %and3A_398 = arith.andi %shift_right_logical3A_395, %and3A_397 : vector<16xi32>
      %and3A_399 = arith.constant 1 : i32
      %and3A_400 = vector.broadcast %and3A_399 : i32 to vector<16xi32>
      %and3A_401 = arith.andi %get3A_389, %and3A_400 : vector<16xi32>
      %shift_left3A_402 = arith.constant 4 : i32
      %shift_left3A_403 = vector.broadcast %shift_left3A_402 : i32 to vector<16xi32>
      %shift_left3A_404 = arith.shli %and3A_401, %shift_left3A_403 : vector<16xi32>
      %shift_left3A_405 = arith.shli %broadcast_in_dim3A_65, %shift_left3A_404 : vector<16xi32>
      tpu.vector_store_idx %arg10[%shift_right_logical3A_392, %and3A_398], %shift_left3A_405 {add = true} : memref<40x128xi32, #tpu.memory_space<vmem>>[vector<16xi32>, vector<16xi32>], vector<16xi32>,
      %dma_wait3A_406 = arith.constant 0 : i32
      %dma_wait3A_407 = tpu.memref_slice %arg3[%mul3A_4, %dma_wait3A_406] : memref<320000x128xf32, #tpu.memory_space<hbm>> -> memref<80x128xf32, #tpu.memory_space<hbm>>
      %dma_wait3A_408 = arith.constant 0 : i32
      %dma_wait3A_409 = tpu.memref_slice %arg3[%mul3A_4, %dma_wait3A_408] : memref<320000x128xf32, #tpu.memory_space<hbm>> -> memref<80x128xf32, #tpu.memory_space<hbm>>
      tpu.wait_dma2 semaphore(%arg14 : memref<!tpu.dma_semaphore, #tpu.memory_space<semaphore_mem>>) src(%dma_wait3A_409 : memref<80x128xf32, #tpu.memory_space<hbm>>) dst(%arg7 : memref<80x128xf32, #tpu.memory_space<vmem>>)
      "tpu.region"() ({
        %run_scoped3A_630 = tpu.sem_alloc : memref<!tpu.dma_semaphore, #tpu.memory_space<semaphore_mem>>
        %dma_start3A_631 = arith.constant 0 : i32
        %dma_start3A_632 = tpu.memref_slice %arg6[%mul3A_301, %dma_start3A_631] : memref<125x80xi32, #tpu.memory_space<vmem>> -> memref<1x80xi32, #tpu.memory_space<vmem>>
        %dma_start3A_633 = tpu.memref_squeeze %dma_start3A_632 : memref<1x80xi32, #tpu.memory_space<vmem>> -> memref<80xi32, #tpu.memory_space<vmem>>
        %dma_start3A_634 = arith.constant 0 : i32
        %dma_start3A_635 = arith.constant 0 : i32
        %dma_start3A_636 = tpu.memref_slice %arg12[%dma_start3A_634, %dma_start3A_635] : memref<10240x128xf32, #tpu.memory_space<vmem_shared>> -> memref<10240x128xf32, #tpu.memory_space<vmem_shared>>
        tpu.enqueue_indirect_dma source(%arg7 : memref<80x128xf32, #tpu.memory_space<vmem>>) target(%dma_start3A_636 : memref<10240x128xf32, #tpu.memory_space<vmem_shared>>) offsets(%dma_start3A_633 : memref<80xi32, #tpu.memory_space<vmem>>) semaphore(%run_scoped3A_630 : memref<!tpu.dma_semaphore, #tpu.memory_space<semaphore_mem>>) {add = true}
        %dma_wait3A_637 = arith.constant 0 : i32
        %dma_wait3A_638 = tpu.memref_slice %arg6[%mul3A_301, %dma_wait3A_637] : memref<125x80xi32, #tpu.memory_space<vmem>> -> memref<1x80xi32, #tpu.memory_space<vmem>>
        %dma_wait3A_639 = tpu.memref_squeeze %dma_wait3A_638 : memref<1x80xi32, #tpu.memory_space<vmem>> -> memref<80xi32, #tpu.memory_space<vmem>>
        %dma_wait3A_640 = arith.constant 0 : i32
        %dma_wait3A_641 = arith.constant 0 : i32
        %dma_wait3A_642 = tpu.memref_slice %arg12[%dma_wait3A_640, %dma_wait3A_641] : memref<10240x128xf32, #tpu.memory_space<vmem_shared>> -> memref<10240x128xf32, #tpu.memory_space<vmem_shared>>
        tpu.wait_indirect_dma semaphore(%run_scoped3A_630 : memref<!tpu.dma_semaphore, #tpu.memory_space<semaphore_mem>>) src(%arg7 : memref<80x128xf32, #tpu.memory_space<vmem>>) dst(%dma_wait3A_642 : memref<10240x128xf32, #tpu.memory_space<vmem_shared>>)
        tpu.yield
      }) : () -> ()
      %add3A_410 = arith.constant 1 : i32
      %add3A_411 = arith.addi %mul3A_301, %add3A_410 : i32
      %add3A_412 = arith.constant 2 : i32
      %add3A_413 = arith.addi %add3A_411, %add3A_412 : i32
      %mul3A_414 = arith.constant 80 : i32
      %mul3A_415 = arith.muli %add3A_413, %mul3A_414 : i32
      %add3A_416 = arith.addi %mul3A_4, %mul3A_415 : i32
      %dma_start3A_417 = arith.constant 0 : i32
      %dma_start3A_418 = tpu.memref_slice %arg3[%add3A_416, %dma_start3A_417] : memref<320000x128xf32, #tpu.memory_space<hbm>> -> memref<80x128xf32, #tpu.memory_space<hbm>>
      %dma_start3A_419 = arith.constant 0 : i32
      %dma_start3A_420 = tpu.memref_slice %arg3[%add3A_416, %dma_start3A_419] : memref<320000x128xf32, #tpu.memory_space<hbm>> -> memref<80x128xf32, #tpu.memory_space<hbm>>
      tpu.enqueue_dma source(%dma_start3A_420 : memref<80x128xf32, #tpu.memory_space<hbm>>) target(%arg7 : memref<80x128xf32, #tpu.memory_space<vmem>>) target_semaphore(%arg14 : memref<!tpu.dma_semaphore, #tpu.memory_space<semaphore_mem>>)
      %get3A_421 = arith.index_cast %add3A_411 : i32 to index
      %get3A_422 = arith.constant 0 : index
      %get3A_423 = tpu.vector_load %arg6[%get3A_421, %get3A_422] {strides = array<i32>} : memref<125x80xi32, #tpu.memory_space<vmem>>, vector<16xi32>,
      %shift_right_logical3A_424 = arith.constant 8 : i32
      %shift_right_logical3A_425 = vector.broadcast %shift_right_logical3A_424 : i32 to vector<16xi32>
      %shift_right_logical3A_426 = arith.shrui %get3A_423, %shift_right_logical3A_425 : vector<16xi32>
      %shift_right_logical3A_427 = arith.constant 1 : i32
      %shift_right_logical3A_428 = vector.broadcast %shift_right_logical3A_427 : i32 to vector<16xi32>
      %shift_right_logical3A_429 = arith.shrui %get3A_423, %shift_right_logical3A_428 : vector<16xi32>
      %and3A_430 = arith.constant 127 : i32
      %and3A_431 = vector.broadcast %and3A_430 : i32 to vector<16xi32>
      %and3A_432 = arith.andi %shift_right_logical3A_429, %and3A_431 : vector<16xi32>
      %and3A_433 = arith.constant 1 : i32
      %and3A_434 = vector.broadcast %and3A_433 : i32 to vector<16xi32>
      %and3A_435 = arith.andi %get3A_423, %and3A_434 : vector<16xi32>
      %shift_left3A_436 = arith.constant 4 : i32
      %shift_left3A_437 = vector.broadcast %shift_left3A_436 : i32 to vector<16xi32>
      %shift_left3A_438 = arith.shli %and3A_435, %shift_left3A_437 : vector<16xi32>
      %shift_left3A_439 = arith.shli %broadcast_in_dim3A_65, %shift_left3A_438 : vector<16xi32>
      tpu.vector_store_idx %arg10[%shift_right_logical3A_426, %and3A_432], %shift_left3A_439 {add = true} : memref<40x128xi32, #tpu.memory_space<vmem>>[vector<16xi32>, vector<16xi32>], vector<16xi32>,
      %get3A_440 = arith.index_cast %add3A_411 : i32 to index
      %get3A_441 = arith.constant 16 : index
      %get3A_442 = tpu.vector_load %arg6[%get3A_440, %get3A_441] {strides = array<i32>} : memref<125x80xi32, #tpu.memory_space<vmem>>, vector<16xi32>,
      %shift_right_logical3A_443 = arith.constant 8 : i32
      %shift_right_logical3A_444 = vector.broadcast %shift_right_logical3A_443 : i32 to vector<16xi32>
      %shift_right_logical3A_445 = arith.shrui %get3A_442, %shift_right_logical3A_444 : vector<16xi32>
      %shift_right_logical3A_446 = arith.constant 1 : i32
      %shift_right_logical3A_447 = vector.broadcast %shift_right_logical3A_446 : i32 to vector<16xi32>
      %shift_right_logical3A_448 = arith.shrui %get3A_442, %shift_right_logical3A_447 : vector<16xi32>
      %and3A_449 = arith.constant 127 : i32
      %and3A_450 = vector.broadcast %and3A_449 : i32 to vector<16xi32>
      %and3A_451 = arith.andi %shift_right_logical3A_448, %and3A_450 : vector<16xi32>
      %and3A_452 = arith.constant 1 : i32
      %and3A_453 = vector.broadcast %and3A_452 : i32 to vector<16xi32>
      %and3A_454 = arith.andi %get3A_442, %and3A_453 : vector<16xi32>
      %shift_left3A_455 = arith.constant 4 : i32
      %shift_left3A_456 = vector.broadcast %shift_left3A_455 : i32 to vector<16xi32>
      %shift_left3A_457 = arith.shli %and3A_454, %shift_left3A_456 : vector<16xi32>
      %shift_left3A_458 = arith.shli %broadcast_in_dim3A_65, %shift_left3A_457 : vector<16xi32>
      tpu.vector_store_idx %arg10[%shift_right_logical3A_445, %and3A_451], %shift_left3A_458 {add = true} : memref<40x128xi32, #tpu.memory_space<vmem>>[vector<16xi32>, vector<16xi32>], vector<16xi32>,
      %get3A_459 = arith.index_cast %add3A_411 : i32 to index
      %get3A_460 = arith.constant 32 : index
      %get3A_461 = tpu.vector_load %arg6[%get3A_459, %get3A_460] {strides = array<i32>} : memref<125x80xi32, #tpu.memory_space<vmem>>, vector<16xi32>,
      %shift_right_logical3A_462 = arith.constant 8 : i32
      %shift_right_logical3A_463 = vector.broadcast %shift_right_logical3A_462 : i32 to vector<16xi32>
      %shift_right_logical3A_464 = arith.shrui %get3A_461, %shift_right_logical3A_463 : vector<16xi32>
      %shift_right_logical3A_465 = arith.constant 1 : i32
      %shift_right_logical3A_466 = vector.broadcast %shift_right_logical3A_465 : i32 to vector<16xi32>
      %shift_right_logical3A_467 = arith.shrui %get3A_461, %shift_right_logical3A_466 : vector<16xi32>
      %and3A_468 = arith.constant 127 : i32
      %and3A_469 = vector.broadcast %and3A_468 : i32 to vector<16xi32>
      %and3A_470 = arith.andi %shift_right_logical3A_467, %and3A_469 : vector<16xi32>
      %and3A_471 = arith.constant 1 : i32
      %and3A_472 = vector.broadcast %and3A_471 : i32 to vector<16xi32>
      %and3A_473 = arith.andi %get3A_461, %and3A_472 : vector<16xi32>
      %shift_left3A_474 = arith.constant 4 : i32
      %shift_left3A_475 = vector.broadcast %shift_left3A_474 : i32 to vector<16xi32>
      %shift_left3A_476 = arith.shli %and3A_473, %shift_left3A_475 : vector<16xi32>
      %shift_left3A_477 = arith.shli %broadcast_in_dim3A_65, %shift_left3A_476 : vector<16xi32>
      tpu.vector_store_idx %arg10[%shift_right_logical3A_464, %and3A_470], %shift_left3A_477 {add = true} : memref<40x128xi32, #tpu.memory_space<vmem>>[vector<16xi32>, vector<16xi32>], vector<16xi32>,
      %get3A_478 = arith.index_cast %add3A_411 : i32 to index
      %get3A_479 = arith.constant 48 : index
      %get3A_480 = tpu.vector_load %arg6[%get3A_478, %get3A_479] {strides = array<i32>} : memref<125x80xi32, #tpu.memory_space<vmem>>, vector<16xi32>,
      %shift_right_logical3A_481 = arith.constant 8 : i32
      %shift_right_logical3A_482 = vector.broadcast %shift_right_logical3A_481 : i32 to vector<16xi32>
      %shift_right_logical3A_483 = arith.shrui %get3A_480, %shift_right_logical3A_482 : vector<16xi32>
      %shift_right_logical3A_484 = arith.constant 1 : i32
      %shift_right_logical3A_485 = vector.broadcast %shift_right_logical3A_484 : i32 to vector<16xi32>
      %shift_right_logical3A_486 = arith.shrui %get3A_480, %shift_right_logical3A_485 : vector<16xi32>
      %and3A_487 = arith.constant 127 : i32
      %and3A_488 = vector.broadcast %and3A_487 : i32 to vector<16xi32>
      %and3A_489 = arith.andi %shift_right_logical3A_486, %and3A_488 : vector<16xi32>
      %and3A_490 = arith.constant 1 : i32
      %and3A_491 = vector.broadcast %and3A_490 : i32 to vector<16xi32>
      %and3A_492 = arith.andi %get3A_480, %and3A_491 : vector<16xi32>
      %shift_left3A_493 = arith.constant 4 : i32
      %shift_left3A_494 = vector.broadcast %shift_left3A_493 : i32 to vector<16xi32>
      %shift_left3A_495 = arith.shli %and3A_492, %shift_left3A_494 : vector<16xi32>
      %shift_left3A_496 = arith.shli %broadcast_in_dim3A_65, %shift_left3A_495 : vector<16xi32>
      tpu.vector_store_idx %arg10[%shift_right_logical3A_483, %and3A_489], %shift_left3A_496 {add = true} : memref<40x128xi32, #tpu.memory_space<vmem>>[vector<16xi32>, vector<16xi32>], vector<16xi32>,
      %get3A_497 = arith.index_cast %add3A_411 : i32 to index
      %get3A_498 = arith.constant 64 : index
      %get3A_499 = tpu.vector_load %arg6[%get3A_497, %get3A_498] {strides = array<i32>} : memref<125x80xi32, #tpu.memory_space<vmem>>, vector<16xi32>,
      %shift_right_logical3A_500 = arith.constant 8 : i32
      %shift_right_logical3A_501 = vector.broadcast %shift_right_logical3A_500 : i32 to vector<16xi32>
      %shift_right_logical3A_502 = arith.shrui %get3A_499, %shift_right_logical3A_501 : vector<16xi32>
      %shift_right_logical3A_503 = arith.constant 1 : i32
      %shift_right_logical3A_504 = vector.broadcast %shift_right_logical3A_503 : i32 to vector<16xi32>
      %shift_right_logical3A_505 = arith.shrui %get3A_499, %shift_right_logical3A_504 : vector<16xi32>
      %and3A_506 = arith.constant 127 : i32
      %and3A_507 = vector.broadcast %and3A_506 : i32 to vector<16xi32>
      %and3A_508 = arith.andi %shift_right_logical3A_505, %and3A_507 : vector<16xi32>
      %and3A_509 = arith.constant 1 : i32
      %and3A_510 = vector.broadcast %and3A_509 : i32 to vector<16xi32>
      %and3A_511 = arith.andi %get3A_499, %and3A_510 : vector<16xi32>
      %shift_left3A_512 = arith.constant 4 : i32
      %shift_left3A_513 = vector.broadcast %shift_left3A_512 : i32 to vector<16xi32>
      %shift_left3A_514 = arith.shli %and3A_511, %shift_left3A_513 : vector<16xi32>
      %shift_left3A_515 = arith.shli %broadcast_in_dim3A_65, %shift_left3A_514 : vector<16xi32>
      tpu.vector_store_idx %arg10[%shift_right_logical3A_502, %and3A_508], %shift_left3A_515 {add = true} : memref<40x128xi32, #tpu.memory_space<vmem>>[vector<16xi32>, vector<16xi32>], vector<16xi32>,
      %dma_wait3A_516 = arith.constant 0 : i32
      %dma_wait3A_517 = tpu.memref_slice %arg3[%mul3A_4, %dma_wait3A_516] : memref<320000x128xf32, #tpu.memory_space<hbm>> -> memref<80x128xf32, #tpu.memory_space<hbm>>
      %dma_wait3A_518 = arith.constant 0 : i32
      %dma_wait3A_519 = tpu.memref_slice %arg3[%mul3A_4, %dma_wait3A_518] : memref<320000x128xf32, #tpu.memory_space<hbm>> -> memref<80x128xf32, #tpu.memory_space<hbm>>
      tpu.wait_dma2 semaphore(%arg15 : memref<!tpu.dma_semaphore, #tpu.memory_space<semaphore_mem>>) src(%dma_wait3A_519 : memref<80x128xf32, #tpu.memory_space<hbm>>) dst(%arg8 : memref<80x128xf32, #tpu.memory_space<vmem>>)
      "tpu.region"() ({
        %run_scoped3A_630 = tpu.sem_alloc : memref<!tpu.dma_semaphore, #tpu.memory_space<semaphore_mem>>
        %dma_start3A_631 = arith.constant 0 : i32
        %dma_start3A_632 = tpu.memref_slice %arg6[%add3A_411, %dma_start3A_631] : memref<125x80xi32, #tpu.memory_space<vmem>> -> memref<1x80xi32, #tpu.memory_space<vmem>>
        %dma_start3A_633 = tpu.memref_squeeze %dma_start3A_632 : memref<1x80xi32, #tpu.memory_space<vmem>> -> memref<80xi32, #tpu.memory_space<vmem>>
        %dma_start3A_634 = arith.constant 0 : i32
        %dma_start3A_635 = arith.constant 0 : i32
        %dma_start3A_636 = tpu.memref_slice %arg12[%dma_start3A_634, %dma_start3A_635] : memref<10240x128xf32, #tpu.memory_space<vmem_shared>> -> memref<10240x128xf32, #tpu.memory_space<vmem_shared>>
        tpu.enqueue_indirect_dma source(%arg8 : memref<80x128xf32, #tpu.memory_space<vmem>>) target(%dma_start3A_636 : memref<10240x128xf32, #tpu.memory_space<vmem_shared>>) offsets(%dma_start3A_633 : memref<80xi32, #tpu.memory_space<vmem>>) semaphore(%run_scoped3A_630 : memref<!tpu.dma_semaphore, #tpu.memory_space<semaphore_mem>>) {add = true}
        %dma_wait3A_637 = arith.constant 0 : i32
        %dma_wait3A_638 = tpu.memref_slice %arg6[%add3A_411, %dma_wait3A_637] : memref<125x80xi32, #tpu.memory_space<vmem>> -> memref<1x80xi32, #tpu.memory_space<vmem>>
        %dma_wait3A_639 = tpu.memref_squeeze %dma_wait3A_638 : memref<1x80xi32, #tpu.memory_space<vmem>> -> memref<80xi32, #tpu.memory_space<vmem>>
        %dma_wait3A_640 = arith.constant 0 : i32
        %dma_wait3A_641 = arith.constant 0 : i32
        %dma_wait3A_642 = tpu.memref_slice %arg12[%dma_wait3A_640, %dma_wait3A_641] : memref<10240x128xf32, #tpu.memory_space<vmem_shared>> -> memref<10240x128xf32, #tpu.memory_space<vmem_shared>>
        tpu.wait_indirect_dma semaphore(%run_scoped3A_630 : memref<!tpu.dma_semaphore, #tpu.memory_space<semaphore_mem>>) src(%arg8 : memref<80x128xf32, #tpu.memory_space<vmem>>) dst(%dma_wait3A_642 : memref<10240x128xf32, #tpu.memory_space<vmem_shared>>)
        tpu.yield
      }) : () -> ()
      %add3A_520 = arith.constant 2 : i32
      %add3A_521 = arith.addi %mul3A_301, %add3A_520 : i32
      %add3A_522 = arith.constant 2 : i32
      %add3A_523 = arith.addi %add3A_521, %add3A_522 : i32
      %mul3A_524 = arith.constant 80 : i32
      %mul3A_525 = arith.muli %add3A_523, %mul3A_524 : i32
      %add3A_526 = arith.addi %mul3A_4, %mul3A_525 : i32
      %dma_start3A_527 = arith.constant 0 : i32
      %dma_start3A_528 = tpu.memref_slice %arg3[%add3A_526, %dma_start3A_527] : memref<320000x128xf32, #tpu.memory_space<hbm>> -> memref<80x128xf32, #tpu.memory_space<hbm>>
      %dma_start3A_529 = arith.constant 0 : i32
      %dma_start3A_530 = tpu.memref_slice %arg3[%add3A_526, %dma_start3A_529] : memref<320000x128xf32, #tpu.memory_space<hbm>> -> memref<80x128xf32, #tpu.memory_space<hbm>>
      tpu.enqueue_dma source(%dma_start3A_530 : memref<80x128xf32, #tpu.memory_space<hbm>>) target(%arg8 : memref<80x128xf32, #tpu.memory_space<vmem>>) target_semaphore(%arg15 : memref<!tpu.dma_semaphore, #tpu.memory_space<semaphore_mem>>)
      %get3A_531 = arith.index_cast %add3A_521 : i32 to index
      %get3A_532 = arith.constant 0 : index
      %get3A_533 = tpu.vector_load %arg6[%get3A_531, %get3A_532] {strides = array<i32>} : memref<125x80xi32, #tpu.memory_space<vmem>>, vector<16xi32>,
      %shift_right_logical3A_534 = arith.constant 8 : i32
      %shift_right_logical3A_535 = vector.broadcast %shift_right_logical3A_534 : i32 to vector<16xi32>
      %shift_right_logical3A_536 = arith.shrui %get3A_533, %shift_right_logical3A_535 : vector<16xi32>
      %shift_right_logical3A_537 = arith.constant 1 : i32
      %shift_right_logical3A_538 = vector.broadcast %shift_right_logical3A_537 : i32 to vector<16xi32>
      %shift_right_logical3A_539 = arith.shrui %get3A_533, %shift_right_logical3A_538 : vector<16xi32>
      %and3A_540 = arith.constant 127 : i32
      %and3A_541 = vector.broadcast %and3A_540 : i32 to vector<16xi32>
      %and3A_542 = arith.andi %shift_right_logical3A_539, %and3A_541 : vector<16xi32>
      %and3A_543 = arith.constant 1 : i32
      %and3A_544 = vector.broadcast %and3A_543 : i32 to vector<16xi32>
      %and3A_545 = arith.andi %get3A_533, %and3A_544 : vector<16xi32>
      %shift_left3A_546 = arith.constant 4 : i32
      %shift_left3A_547 = vector.broadcast %shift_left3A_546 : i32 to vector<16xi32>
      %shift_left3A_548 = arith.shli %and3A_545, %shift_left3A_547 : vector<16xi32>
      %shift_left3A_549 = arith.shli %broadcast_in_dim3A_65, %shift_left3A_548 : vector<16xi32>
      tpu.vector_store_idx %arg10[%shift_right_logical3A_536, %and3A_542], %shift_left3A_549 {add = true} : memref<40x128xi32, #tpu.memory_space<vmem>>[vector<16xi32>, vector<16xi32>], vector<16xi32>,
      %get3A_550 = arith.index_cast %add3A_521 : i32 to index
      %get3A_551 = arith.constant 16 : index
      %get3A_552 = tpu.vector_load %arg6[%get3A_550, %get3A_551] {strides = array<i32>} : memref<125x80xi32, #tpu.memory_space<vmem>>, vector<16xi32>,
      %shift_right_logical3A_553 = arith.constant 8 : i32
      %shift_right_logical3A_554 = vector.broadcast %shift_right_logical3A_553 : i32 to vector<16xi32>
      %shift_right_logical3A_555 = arith.shrui %get3A_552, %shift_right_logical3A_554 : vector<16xi32>
      %shift_right_logical3A_556 = arith.constant 1 : i32
      %shift_right_logical3A_557 = vector.broadcast %shift_right_logical3A_556 : i32 to vector<16xi32>
      %shift_right_logical3A_558 = arith.shrui %get3A_552, %shift_right_logical3A_557 : vector<16xi32>
      %and3A_559 = arith.constant 127 : i32
      %and3A_560 = vector.broadcast %and3A_559 : i32 to vector<16xi32>
      %and3A_561 = arith.andi %shift_right_logical3A_558, %and3A_560 : vector<16xi32>
      %and3A_562 = arith.constant 1 : i32
      %and3A_563 = vector.broadcast %and3A_562 : i32 to vector<16xi32>
      %and3A_564 = arith.andi %get3A_552, %and3A_563 : vector<16xi32>
      %shift_left3A_565 = arith.constant 4 : i32
      %shift_left3A_566 = vector.broadcast %shift_left3A_565 : i32 to vector<16xi32>
      %shift_left3A_567 = arith.shli %and3A_564, %shift_left3A_566 : vector<16xi32>
      %shift_left3A_568 = arith.shli %broadcast_in_dim3A_65, %shift_left3A_567 : vector<16xi32>
      tpu.vector_store_idx %arg10[%shift_right_logical3A_555, %and3A_561], %shift_left3A_568 {add = true} : memref<40x128xi32, #tpu.memory_space<vmem>>[vector<16xi32>, vector<16xi32>], vector<16xi32>,
      %get3A_569 = arith.index_cast %add3A_521 : i32 to index
      %get3A_570 = arith.constant 32 : index
      %get3A_571 = tpu.vector_load %arg6[%get3A_569, %get3A_570] {strides = array<i32>} : memref<125x80xi32, #tpu.memory_space<vmem>>, vector<16xi32>,
      %shift_right_logical3A_572 = arith.constant 8 : i32
      %shift_right_logical3A_573 = vector.broadcast %shift_right_logical3A_572 : i32 to vector<16xi32>
      %shift_right_logical3A_574 = arith.shrui %get3A_571, %shift_right_logical3A_573 : vector<16xi32>
      %shift_right_logical3A_575 = arith.constant 1 : i32
      %shift_right_logical3A_576 = vector.broadcast %shift_right_logical3A_575 : i32 to vector<16xi32>
      %shift_right_logical3A_577 = arith.shrui %get3A_571, %shift_right_logical3A_576 : vector<16xi32>
      %and3A_578 = arith.constant 127 : i32
      %and3A_579 = vector.broadcast %and3A_578 : i32 to vector<16xi32>
      %and3A_580 = arith.andi %shift_right_logical3A_577, %and3A_579 : vector<16xi32>
      %and3A_581 = arith.constant 1 : i32
      %and3A_582 = vector.broadcast %and3A_581 : i32 to vector<16xi32>
      %and3A_583 = arith.andi %get3A_571, %and3A_582 : vector<16xi32>
      %shift_left3A_584 = arith.constant 4 : i32
      %shift_left3A_585 = vector.broadcast %shift_left3A_584 : i32 to vector<16xi32>
      %shift_left3A_586 = arith.shli %and3A_583, %shift_left3A_585 : vector<16xi32>
      %shift_left3A_587 = arith.shli %broadcast_in_dim3A_65, %shift_left3A_586 : vector<16xi32>
      tpu.vector_store_idx %arg10[%shift_right_logical3A_574, %and3A_580], %shift_left3A_587 {add = true} : memref<40x128xi32, #tpu.memory_space<vmem>>[vector<16xi32>, vector<16xi32>], vector<16xi32>,
      %get3A_588 = arith.index_cast %add3A_521 : i32 to index
      %get3A_589 = arith.constant 48 : index
      %get3A_590 = tpu.vector_load %arg6[%get3A_588, %get3A_589] {strides = array<i32>} : memref<125x80xi32, #tpu.memory_space<vmem>>, vector<16xi32>,
      %shift_right_logical3A_591 = arith.constant 8 : i32
      %shift_right_logical3A_592 = vector.broadcast %shift_right_logical3A_591 : i32 to vector<16xi32>
      %shift_right_logical3A_593 = arith.shrui %get3A_590, %shift_right_logical3A_592 : vector<16xi32>
      %shift_right_logical3A_594 = arith.constant 1 : i32
      %shift_right_logical3A_595 = vector.broadcast %shift_right_logical3A_594 : i32 to vector<16xi32>
      %shift_right_logical3A_596 = arith.shrui %get3A_590, %shift_right_logical3A_595 : vector<16xi32>
      %and3A_597 = arith.constant 127 : i32
      %and3A_598 = vector.broadcast %and3A_597 : i32 to vector<16xi32>
      %and3A_599 = arith.andi %shift_right_logical3A_596, %and3A_598 : vector<16xi32>
      %and3A_600 = arith.constant 1 : i32
      %and3A_601 = vector.broadcast %and3A_600 : i32 to vector<16xi32>
      %and3A_602 = arith.andi %get3A_590, %and3A_601 : vector<16xi32>
      %shift_left3A_603 = arith.constant 4 : i32
      %shift_left3A_604 = vector.broadcast %shift_left3A_603 : i32 to vector<16xi32>
      %shift_left3A_605 = arith.shli %and3A_602, %shift_left3A_604 : vector<16xi32>
      %shift_left3A_606 = arith.shli %broadcast_in_dim3A_65, %shift_left3A_605 : vector<16xi32>
      tpu.vector_store_idx %arg10[%shift_right_logical3A_593, %and3A_599], %shift_left3A_606 {add = true} : memref<40x128xi32, #tpu.memory_space<vmem>>[vector<16xi32>, vector<16xi32>], vector<16xi32>,
      %get3A_607 = arith.index_cast %add3A_521 : i32 to index
      %get3A_608 = arith.constant 64 : index
      %get3A_609 = tpu.vector_load %arg6[%get3A_607, %get3A_608] {strides = array<i32>} : memref<125x80xi32, #tpu.memory_space<vmem>>, vector<16xi32>,
      %shift_right_logical3A_610 = arith.constant 8 : i32
      %shift_right_logical3A_611 = vector.broadcast %shift_right_logical3A_610 : i32 to vector<16xi32>
      %shift_right_logical3A_612 = arith.shrui %get3A_609, %shift_right_logical3A_611 : vector<16xi32>
      %shift_right_logical3A_613 = arith.constant 1 : i32
      %shift_right_logical3A_614 = vector.broadcast %shift_right_logical3A_613 : i32 to vector<16xi32>
      %shift_right_logical3A_615 = arith.shrui %get3A_609, %shift_right_logical3A_614 : vector<16xi32>
      %and3A_616 = arith.constant 127 : i32
      %and3A_617 = vector.broadcast %and3A_616 : i32 to vector<16xi32>
      %and3A_618 = arith.andi %shift_right_logical3A_615, %and3A_617 : vector<16xi32>
      %and3A_619 = arith.constant 1 : i32
      %and3A_620 = vector.broadcast %and3A_619 : i32 to vector<16xi32>
      %and3A_621 = arith.andi %get3A_609, %and3A_620 : vector<16xi32>
      %shift_left3A_622 = arith.constant 4 : i32
      %shift_left3A_623 = vector.broadcast %shift_left3A_622 : i32 to vector<16xi32>
      %shift_left3A_624 = arith.shli %and3A_621, %shift_left3A_623 : vector<16xi32>
      %shift_left3A_625 = arith.shli %broadcast_in_dim3A_65, %shift_left3A_624 : vector<16xi32>
      tpu.vector_store_idx %arg10[%shift_right_logical3A_612, %and3A_618], %shift_left3A_625 {add = true} : memref<40x128xi32, #tpu.memory_space<vmem>>[vector<16xi32>, vector<16xi32>], vector<16xi32>,
      %dma_wait3A_626 = arith.constant 0 : i32
      %dma_wait3A_627 = tpu.memref_slice %arg3[%mul3A_4, %dma_wait3A_626] : memref<320000x128xf32, #tpu.memory_space<hbm>> -> memref<80x128xf32, #tpu.memory_space<hbm>>
      %dma_wait3A_628 = arith.constant 0 : i32
      %dma_wait3A_629 = tpu.memref_slice %arg3[%mul3A_4, %dma_wait3A_628] : memref<320000x128xf32, #tpu.memory_space<hbm>> -> memref<80x128xf32, #tpu.memory_space<hbm>>
      tpu.wait_dma2 semaphore(%arg16 : memref<!tpu.dma_semaphore, #tpu.memory_space<semaphore_mem>>) src(%dma_wait3A_629 : memref<80x128xf32, #tpu.memory_space<hbm>>) dst(%arg9 : memref<80x128xf32, #tpu.memory_space<vmem>>)
      "tpu.region"() ({
        %run_scoped3A_630 = tpu.sem_alloc : memref<!tpu.dma_semaphore, #tpu.memory_space<semaphore_mem>>
        %dma_start3A_631 = arith.constant 0 : i32
        %dma_start3A_632 = tpu.memref_slice %arg6[%add3A_521, %dma_start3A_631] : memref<125x80xi32, #tpu.memory_space<vmem>> -> memref<1x80xi32, #tpu.memory_space<vmem>>
        %dma_start3A_633 = tpu.memref_squeeze %dma_start3A_632 : memref<1x80xi32, #tpu.memory_space<vmem>> -> memref<80xi32, #tpu.memory_space<vmem>>
        %dma_start3A_634 = arith.constant 0 : i32
        %dma_start3A_635 = arith.constant 0 : i32
        %dma_start3A_636 = tpu.memref_slice %arg12[%dma_start3A_634, %dma_start3A_635] : memref<10240x128xf32, #tpu.memory_space<vmem_shared>> -> memref<10240x128xf32, #tpu.memory_space<vmem_shared>>
        tpu.enqueue_indirect_dma source(%arg9 : memref<80x128xf32, #tpu.memory_space<vmem>>) target(%dma_start3A_636 : memref<10240x128xf32, #tpu.memory_space<vmem_shared>>) offsets(%dma_start3A_633 : memref<80xi32, #tpu.memory_space<vmem>>) semaphore(%run_scoped3A_630 : memref<!tpu.dma_semaphore, #tpu.memory_space<semaphore_mem>>) {add = true}
        %dma_wait3A_637 = arith.constant 0 : i32
        %dma_wait3A_638 = tpu.memref_slice %arg6[%add3A_521, %dma_wait3A_637] : memref<125x80xi32, #tpu.memory_space<vmem>> -> memref<1x80xi32, #tpu.memory_space<vmem>>
        %dma_wait3A_639 = tpu.memref_squeeze %dma_wait3A_638 : memref<1x80xi32, #tpu.memory_space<vmem>> -> memref<80xi32, #tpu.memory_space<vmem>>
        %dma_wait3A_640 = arith.constant 0 : i32
        %dma_wait3A_641 = arith.constant 0 : i32
        %dma_wait3A_642 = tpu.memref_slice %arg12[%dma_wait3A_640, %dma_wait3A_641] : memref<10240x128xf32, #tpu.memory_space<vmem_shared>> -> memref<10240x128xf32, #tpu.memory_space<vmem_shared>>
        tpu.wait_indirect_dma semaphore(%run_scoped3A_630 : memref<!tpu.dma_semaphore, #tpu.memory_space<semaphore_mem>>) src(%arg9 : memref<80x128xf32, #tpu.memory_space<vmem>>) dst(%dma_wait3A_642 : memref<10240x128xf32, #tpu.memory_space<vmem_shared>>)
        tpu.yield
      }) : () -> ()
    }
    %scan3A_83 = arith.constant 41 : i32
    %get3A = arith.constant 123 : i32
    %get3A_84 = arith.index_cast %get3A : i32 to index
    %get3A_85 = arith.constant 0 : index
    %get3A_86 = tpu.vector_load %arg6[%get3A_84, %get3A_85] {strides = array<i32>} : memref<125x80xi32, #tpu.memory_space<vmem>>, vector<16xi32>,
    %shift_right_logical3A = arith.constant 8 : i32
    %shift_right_logical3A_87 = vector.broadcast %shift_right_logical3A : i32 to vector<16xi32>
    %shift_right_logical3A_88 = arith.shrui %get3A_86, %shift_right_logical3A_87 : vector<16xi32>
    %shift_right_logical3A_89 = arith.constant 1 : i32
    %shift_right_logical3A_90 = vector.broadcast %shift_right_logical3A_89 : i32 to vector<16xi32>
    %shift_right_logical3A_91 = arith.shrui %get3A_86, %shift_right_logical3A_90 : vector<16xi32>
    %and3A = arith.constant 127 : i32
    %and3A_92 = vector.broadcast %and3A : i32 to vector<16xi32>
    %and3A_93 = arith.andi %shift_right_logical3A_91, %and3A_92 : vector<16xi32>
    %and3A_94 = arith.constant 1 : i32
    %and3A_95 = vector.broadcast %and3A_94 : i32 to vector<16xi32>
    %and3A_96 = arith.andi %get3A_86, %and3A_95 : vector<16xi32>
    %shift_left3A = arith.constant 4 : i32
    %shift_left3A_97 = vector.broadcast %shift_left3A : i32 to vector<16xi32>
    %shift_left3A_98 = arith.shli %and3A_96, %shift_left3A_97 : vector<16xi32>
    %shift_left3A_99 = arith.shli %broadcast_in_dim3A_65, %shift_left3A_98 : vector<16xi32>
    tpu.vector_store_idx %arg10[%shift_right_logical3A_88, %and3A_93], %shift_left3A_99 {add = true} : memref<40x128xi32, #tpu.memory_space<vmem>>[vector<16xi32>, vector<16xi32>], vector<16xi32>,
    %get3A_100 = arith.constant 123 : i32
    %get3A_101 = arith.index_cast %get3A_100 : i32 to index
    %get3A_102 = arith.constant 16 : index
    %get3A_103 = tpu.vector_load %arg6[%get3A_101, %get3A_102] {strides = array<i32>} : memref<125x80xi32, #tpu.memory_space<vmem>>, vector<16xi32>,
    %shift_right_logical3A_104 = arith.constant 8 : i32
    %shift_right_logical3A_105 = vector.broadcast %shift_right_logical3A_104 : i32 to vector<16xi32>
    %shift_right_logical3A_106 = arith.shrui %get3A_103, %shift_right_logical3A_105 : vector<16xi32>
    %shift_right_logical3A_107 = arith.constant 1 : i32
    %shift_right_logical3A_108 = vector.broadcast %shift_right_logical3A_107 : i32 to vector<16xi32>
    %shift_right_logical3A_109 = arith.shrui %get3A_103, %shift_right_logical3A_108 : vector<16xi32>
    %and3A_110 = arith.constant 127 : i32
    %and3A_111 = vector.broadcast %and3A_110 : i32 to vector<16xi32>
    %and3A_112 = arith.andi %shift_right_logical3A_109, %and3A_111 : vector<16xi32>
    %and3A_113 = arith.constant 1 : i32
    %and3A_114 = vector.broadcast %and3A_113 : i32 to vector<16xi32>
    %and3A_115 = arith.andi %get3A_103, %and3A_114 : vector<16xi32>
    %shift_left3A_116 = arith.constant 4 : i32
    %shift_left3A_117 = vector.broadcast %shift_left3A_116 : i32 to vector<16xi32>
    %shift_left3A_118 = arith.shli %and3A_115, %shift_left3A_117 : vector<16xi32>
    %shift_left3A_119 = arith.shli %broadcast_in_dim3A_65, %shift_left3A_118 : vector<16xi32>
    tpu.vector_store_idx %arg10[%shift_right_logical3A_106, %and3A_112], %shift_left3A_119 {add = true} : memref<40x128xi32, #tpu.memory_space<vmem>>[vector<16xi32>, vector<16xi32>], vector<16xi32>,
    %get3A_120 = arith.constant 123 : i32
    %get3A_121 = arith.index_cast %get3A_120 : i32 to index
    %get3A_122 = arith.constant 32 : index
    %get3A_123 = tpu.vector_load %arg6[%get3A_121, %get3A_122] {strides = array<i32>} : memref<125x80xi32, #tpu.memory_space<vmem>>, vector<16xi32>,
    %shift_right_logical3A_124 = arith.constant 8 : i32
    %shift_right_logical3A_125 = vector.broadcast %shift_right_logical3A_124 : i32 to vector<16xi32>
    %shift_right_logical3A_126 = arith.shrui %get3A_123, %shift_right_logical3A_125 : vector<16xi32>
    %shift_right_logical3A_127 = arith.constant 1 : i32
    %shift_right_logical3A_128 = vector.broadcast %shift_right_logical3A_127 : i32 to vector<16xi32>
    %shift_right_logical3A_129 = arith.shrui %get3A_123, %shift_right_logical3A_128 : vector<16xi32>
    %and3A_130 = arith.constant 127 : i32
    %and3A_131 = vector.broadcast %and3A_130 : i32 to vector<16xi32>
    %and3A_132 = arith.andi %shift_right_logical3A_129, %and3A_131 : vector<16xi32>
    %and3A_133 = arith.constant 1 : i32
    %and3A_134 = vector.broadcast %and3A_133 : i32 to vector<16xi32>
    %and3A_135 = arith.andi %get3A_123, %and3A_134 : vector<16xi32>
    %shift_left3A_136 = arith.constant 4 : i32
    %shift_left3A_137 = vector.broadcast %shift_left3A_136 : i32 to vector<16xi32>
    %shift_left3A_138 = arith.shli %and3A_135, %shift_left3A_137 : vector<16xi32>
    %shift_left3A_139 = arith.shli %broadcast_in_dim3A_65, %shift_left3A_138 : vector<16xi32>
    tpu.vector_store_idx %arg10[%shift_right_logical3A_126, %and3A_132], %shift_left3A_139 {add = true} : memref<40x128xi32, #tpu.memory_space<vmem>>[vector<16xi32>, vector<16xi32>], vector<16xi32>,
    %get3A_140 = arith.constant 123 : i32
    %get3A_141 = arith.index_cast %get3A_140 : i32 to index
    %get3A_142 = arith.constant 48 : index
    %get3A_143 = tpu.vector_load %arg6[%get3A_141, %get3A_142] {strides = array<i32>} : memref<125x80xi32, #tpu.memory_space<vmem>>, vector<16xi32>,
    %shift_right_logical3A_144 = arith.constant 8 : i32
    %shift_right_logical3A_145 = vector.broadcast %shift_right_logical3A_144 : i32 to vector<16xi32>
    %shift_right_logical3A_146 = arith.shrui %get3A_143, %shift_right_logical3A_145 : vector<16xi32>
    %shift_right_logical3A_147 = arith.constant 1 : i32
    %shift_right_logical3A_148 = vector.broadcast %shift_right_logical3A_147 : i32 to vector<16xi32>
    %shift_right_logical3A_149 = arith.shrui %get3A_143, %shift_right_logical3A_148 : vector<16xi32>
    %and3A_150 = arith.constant 127 : i32
    %and3A_151 = vector.broadcast %and3A_150 : i32 to vector<16xi32>
    %and3A_152 = arith.andi %shift_right_logical3A_149, %and3A_151 : vector<16xi32>
    %and3A_153 = arith.constant 1 : i32
    %and3A_154 = vector.broadcast %and3A_153 : i32 to vector<16xi32>
    %and3A_155 = arith.andi %get3A_143, %and3A_154 : vector<16xi32>
    %shift_left3A_156 = arith.constant 4 : i32
    %shift_left3A_157 = vector.broadcast %shift_left3A_156 : i32 to vector<16xi32>
    %shift_left3A_158 = arith.shli %and3A_155, %shift_left3A_157 : vector<16xi32>
    %shift_left3A_159 = arith.shli %broadcast_in_dim3A_65, %shift_left3A_158 : vector<16xi32>
    tpu.vector_store_idx %arg10[%shift_right_logical3A_146, %and3A_152], %shift_left3A_159 {add = true} : memref<40x128xi32, #tpu.memory_space<vmem>>[vector<16xi32>, vector<16xi32>], vector<16xi32>,
    %get3A_160 = arith.constant 123 : i32
    %get3A_161 = arith.index_cast %get3A_160 : i32 to index
    %get3A_162 = arith.constant 64 : index
    %get3A_163 = tpu.vector_load %arg6[%get3A_161, %get3A_162] {strides = array<i32>} : memref<125x80xi32, #tpu.memory_space<vmem>>, vector<16xi32>,
    %shift_right_logical3A_164 = arith.constant 8 : i32
    %shift_right_logical3A_165 = vector.broadcast %shift_right_logical3A_164 : i32 to vector<16xi32>
    %shift_right_logical3A_166 = arith.shrui %get3A_163, %shift_right_logical3A_165 : vector<16xi32>
    %shift_right_logical3A_167 = arith.constant 1 : i32
    %shift_right_logical3A_168 = vector.broadcast %shift_right_logical3A_167 : i32 to vector<16xi32>
    %shift_right_logical3A_169 = arith.shrui %get3A_163, %shift_right_logical3A_168 : vector<16xi32>
    %and3A_170 = arith.constant 127 : i32
    %and3A_171 = vector.broadcast %and3A_170 : i32 to vector<16xi32>
    %and3A_172 = arith.andi %shift_right_logical3A_169, %and3A_171 : vector<16xi32>
    %and3A_173 = arith.constant 1 : i32
    %and3A_174 = vector.broadcast %and3A_173 : i32 to vector<16xi32>
    %and3A_175 = arith.andi %get3A_163, %and3A_174 : vector<16xi32>
    %shift_left3A_176 = arith.constant 4 : i32
    %shift_left3A_177 = vector.broadcast %shift_left3A_176 : i32 to vector<16xi32>
    %shift_left3A_178 = arith.shli %and3A_175, %shift_left3A_177 : vector<16xi32>
    %shift_left3A_179 = arith.shli %broadcast_in_dim3A_65, %shift_left3A_178 : vector<16xi32>
    tpu.vector_store_idx %arg10[%shift_right_logical3A_166, %and3A_172], %shift_left3A_179 {add = true} : memref<40x128xi32, #tpu.memory_space<vmem>>[vector<16xi32>, vector<16xi32>], vector<16xi32>,
    %dma_wait3A_180 = arith.constant 0 : i32
    %dma_wait3A_181 = tpu.memref_slice %arg3[%mul3A_4, %dma_wait3A_180] : memref<320000x128xf32, #tpu.memory_space<hbm>> -> memref<80x128xf32, #tpu.memory_space<hbm>>
    %dma_wait3A_182 = arith.constant 0 : i32
    %dma_wait3A_183 = tpu.memref_slice %arg3[%mul3A_4, %dma_wait3A_182] : memref<320000x128xf32, #tpu.memory_space<hbm>> -> memref<80x128xf32, #tpu.memory_space<hbm>>
    tpu.wait_dma2 semaphore(%arg14 : memref<!tpu.dma_semaphore, #tpu.memory_space<semaphore_mem>>) src(%dma_wait3A_183 : memref<80x128xf32, #tpu.memory_space<hbm>>) dst(%arg7 : memref<80x128xf32, #tpu.memory_space<vmem>>)
    %run_scoped3A = arith.constant 123 : i32
    "tpu.region"() ({
      %run_scoped3A_299 = tpu.sem_alloc : memref<!tpu.dma_semaphore, #tpu.memory_space<semaphore_mem>>
      %dma_start3A_300 = arith.constant 0 : i32
      %dma_start3A_301 = tpu.memref_slice %arg6[%run_scoped3A, %dma_start3A_300] : memref<125x80xi32, #tpu.memory_space<vmem>> -> memref<1x80xi32, #tpu.memory_space<vmem>>
      %dma_start3A_302 = tpu.memref_squeeze %dma_start3A_301 : memref<1x80xi32, #tpu.memory_space<vmem>> -> memref<80xi32, #tpu.memory_space<vmem>>
      %dma_start3A_303 = arith.constant 0 : i32
      %dma_start3A_304 = arith.constant 0 : i32
      %dma_start3A_305 = tpu.memref_slice %arg12[%dma_start3A_303, %dma_start3A_304] : memref<10240x128xf32, #tpu.memory_space<vmem_shared>> -> memref<10240x128xf32, #tpu.memory_space<vmem_shared>>
      tpu.enqueue_indirect_dma source(%arg7 : memref<80x128xf32, #tpu.memory_space<vmem>>) target(%dma_start3A_305 : memref<10240x128xf32, #tpu.memory_space<vmem_shared>>) offsets(%dma_start3A_302 : memref<80xi32, #tpu.memory_space<vmem>>) semaphore(%run_scoped3A_299 : memref<!tpu.dma_semaphore, #tpu.memory_space<semaphore_mem>>) {add = true}
      %dma_wait3A_306 = arith.constant 0 : i32
      %dma_wait3A_307 = tpu.memref_slice %arg6[%run_scoped3A, %dma_wait3A_306] : memref<125x80xi32, #tpu.memory_space<vmem>> -> memref<1x80xi32, #tpu.memory_space<vmem>>
      %dma_wait3A_308 = tpu.memref_squeeze %dma_wait3A_307 : memref<1x80xi32, #tpu.memory_space<vmem>> -> memref<80xi32, #tpu.memory_space<vmem>>
      %dma_wait3A_309 = arith.constant 0 : i32
      %dma_wait3A_310 = arith.constant 0 : i32
      %dma_wait3A_311 = tpu.memref_slice %arg12[%dma_wait3A_309, %dma_wait3A_310] : memref<10240x128xf32, #tpu.memory_space<vmem_shared>> -> memref<10240x128xf32, #tpu.memory_space<vmem_shared>>
      tpu.wait_indirect_dma semaphore(%run_scoped3A_299 : memref<!tpu.dma_semaphore, #tpu.memory_space<semaphore_mem>>) src(%arg7 : memref<80x128xf32, #tpu.memory_space<vmem>>) dst(%dma_wait3A_311 : memref<10240x128xf32, #tpu.memory_space<vmem_shared>>)
      tpu.yield
    }) : () -> ()
    %get3A_184 = arith.constant 124 : i32
    %get3A_185 = arith.index_cast %get3A_184 : i32 to index
    %get3A_186 = arith.constant 0 : index
    %get3A_187 = tpu.vector_load %arg6[%get3A_185, %get3A_186] {strides = array<i32>} : memref<125x80xi32, #tpu.memory_space<vmem>>, vector<16xi32>,
    %shift_right_logical3A_188 = arith.constant 8 : i32
    %shift_right_logical3A_189 = vector.broadcast %shift_right_logical3A_188 : i32 to vector<16xi32>
    %shift_right_logical3A_190 = arith.shrui %get3A_187, %shift_right_logical3A_189 : vector<16xi32>
    %shift_right_logical3A_191 = arith.constant 1 : i32
    %shift_right_logical3A_192 = vector.broadcast %shift_right_logical3A_191 : i32 to vector<16xi32>
    %shift_right_logical3A_193 = arith.shrui %get3A_187, %shift_right_logical3A_192 : vector<16xi32>
    %and3A_194 = arith.constant 127 : i32
    %and3A_195 = vector.broadcast %and3A_194 : i32 to vector<16xi32>
    %and3A_196 = arith.andi %shift_right_logical3A_193, %and3A_195 : vector<16xi32>
    %and3A_197 = arith.constant 1 : i32
    %and3A_198 = vector.broadcast %and3A_197 : i32 to vector<16xi32>
    %and3A_199 = arith.andi %get3A_187, %and3A_198 : vector<16xi32>
    %shift_left3A_200 = arith.constant 4 : i32
    %shift_left3A_201 = vector.broadcast %shift_left3A_200 : i32 to vector<16xi32>
    %shift_left3A_202 = arith.shli %and3A_199, %shift_left3A_201 : vector<16xi32>
    %shift_left3A_203 = arith.shli %broadcast_in_dim3A_65, %shift_left3A_202 : vector<16xi32>
    tpu.vector_store_idx %arg10[%shift_right_logical3A_190, %and3A_196], %shift_left3A_203 {add = true} : memref<40x128xi32, #tpu.memory_space<vmem>>[vector<16xi32>, vector<16xi32>], vector<16xi32>,
    %get3A_204 = arith.constant 124 : i32
    %get3A_205 = arith.index_cast %get3A_204 : i32 to index
    %get3A_206 = arith.constant 16 : index
    %get3A_207 = tpu.vector_load %arg6[%get3A_205, %get3A_206] {strides = array<i32>} : memref<125x80xi32, #tpu.memory_space<vmem>>, vector<16xi32>,
    %shift_right_logical3A_208 = arith.constant 8 : i32
    %shift_right_logical3A_209 = vector.broadcast %shift_right_logical3A_208 : i32 to vector<16xi32>
    %shift_right_logical3A_210 = arith.shrui %get3A_207, %shift_right_logical3A_209 : vector<16xi32>
    %shift_right_logical3A_211 = arith.constant 1 : i32
    %shift_right_logical3A_212 = vector.broadcast %shift_right_logical3A_211 : i32 to vector<16xi32>
    %shift_right_logical3A_213 = arith.shrui %get3A_207, %shift_right_logical3A_212 : vector<16xi32>
    %and3A_214 = arith.constant 127 : i32
    %and3A_215 = vector.broadcast %and3A_214 : i32 to vector<16xi32>
    %and3A_216 = arith.andi %shift_right_logical3A_213, %and3A_215 : vector<16xi32>
    %and3A_217 = arith.constant 1 : i32
    %and3A_218 = vector.broadcast %and3A_217 : i32 to vector<16xi32>
    %and3A_219 = arith.andi %get3A_207, %and3A_218 : vector<16xi32>
    %shift_left3A_220 = arith.constant 4 : i32
    %shift_left3A_221 = vector.broadcast %shift_left3A_220 : i32 to vector<16xi32>
    %shift_left3A_222 = arith.shli %and3A_219, %shift_left3A_221 : vector<16xi32>
    %shift_left3A_223 = arith.shli %broadcast_in_dim3A_65, %shift_left3A_222 : vector<16xi32>
    tpu.vector_store_idx %arg10[%shift_right_logical3A_210, %and3A_216], %shift_left3A_223 {add = true} : memref<40x128xi32, #tpu.memory_space<vmem>>[vector<16xi32>, vector<16xi32>], vector<16xi32>,
    %get3A_224 = arith.constant 124 : i32
    %get3A_225 = arith.index_cast %get3A_224 : i32 to index
    %get3A_226 = arith.constant 32 : index
    %get3A_227 = tpu.vector_load %arg6[%get3A_225, %get3A_226] {strides = array<i32>} : memref<125x80xi32, #tpu.memory_space<vmem>>, vector<16xi32>,
    %shift_right_logical3A_228 = arith.constant 8 : i32
    %shift_right_logical3A_229 = vector.broadcast %shift_right_logical3A_228 : i32 to vector<16xi32>
    %shift_right_logical3A_230 = arith.shrui %get3A_227, %shift_right_logical3A_229 : vector<16xi32>
    %shift_right_logical3A_231 = arith.constant 1 : i32
    %shift_right_logical3A_232 = vector.broadcast %shift_right_logical3A_231 : i32 to vector<16xi32>
    %shift_right_logical3A_233 = arith.shrui %get3A_227, %shift_right_logical3A_232 : vector<16xi32>
    %and3A_234 = arith.constant 127 : i32
    %and3A_235 = vector.broadcast %and3A_234 : i32 to vector<16xi32>
    %and3A_236 = arith.andi %shift_right_logical3A_233, %and3A_235 : vector<16xi32>
    %and3A_237 = arith.constant 1 : i32
    %and3A_238 = vector.broadcast %and3A_237 : i32 to vector<16xi32>
    %and3A_239 = arith.andi %get3A_227, %and3A_238 : vector<16xi32>
    %shift_left3A_240 = arith.constant 4 : i32
    %shift_left3A_241 = vector.broadcast %shift_left3A_240 : i32 to vector<16xi32>
    %shift_left3A_242 = arith.shli %and3A_239, %shift_left3A_241 : vector<16xi32>
    %shift_left3A_243 = arith.shli %broadcast_in_dim3A_65, %shift_left3A_242 : vector<16xi32>
    tpu.vector_store_idx %arg10[%shift_right_logical3A_230, %and3A_236], %shift_left3A_243 {add = true} : memref<40x128xi32, #tpu.memory_space<vmem>>[vector<16xi32>, vector<16xi32>], vector<16xi32>,
    %get3A_244 = arith.constant 124 : i32
    %get3A_245 = arith.index_cast %get3A_244 : i32 to index
    %get3A_246 = arith.constant 48 : index
    %get3A_247 = tpu.vector_load %arg6[%get3A_245, %get3A_246] {strides = array<i32>} : memref<125x80xi32, #tpu.memory_space<vmem>>, vector<16xi32>,
    %shift_right_logical3A_248 = arith.constant 8 : i32
    %shift_right_logical3A_249 = vector.broadcast %shift_right_logical3A_248 : i32 to vector<16xi32>
    %shift_right_logical3A_250 = arith.shrui %get3A_247, %shift_right_logical3A_249 : vector<16xi32>
    %shift_right_logical3A_251 = arith.constant 1 : i32
    %shift_right_logical3A_252 = vector.broadcast %shift_right_logical3A_251 : i32 to vector<16xi32>
    %shift_right_logical3A_253 = arith.shrui %get3A_247, %shift_right_logical3A_252 : vector<16xi32>
    %and3A_254 = arith.constant 127 : i32
    %and3A_255 = vector.broadcast %and3A_254 : i32 to vector<16xi32>
    %and3A_256 = arith.andi %shift_right_logical3A_253, %and3A_255 : vector<16xi32>
    %and3A_257 = arith.constant 1 : i32
    %and3A_258 = vector.broadcast %and3A_257 : i32 to vector<16xi32>
    %and3A_259 = arith.andi %get3A_247, %and3A_258 : vector<16xi32>
    %shift_left3A_260 = arith.constant 4 : i32
    %shift_left3A_261 = vector.broadcast %shift_left3A_260 : i32 to vector<16xi32>
    %shift_left3A_262 = arith.shli %and3A_259, %shift_left3A_261 : vector<16xi32>
    %shift_left3A_263 = arith.shli %broadcast_in_dim3A_65, %shift_left3A_262 : vector<16xi32>
    tpu.vector_store_idx %arg10[%shift_right_logical3A_250, %and3A_256], %shift_left3A_263 {add = true} : memref<40x128xi32, #tpu.memory_space<vmem>>[vector<16xi32>, vector<16xi32>], vector<16xi32>,
    %get3A_264 = arith.constant 124 : i32
    %get3A_265 = arith.index_cast %get3A_264 : i32 to index
    %get3A_266 = arith.constant 64 : index
    %get3A_267 = tpu.vector_load %arg6[%get3A_265, %get3A_266] {strides = array<i32>} : memref<125x80xi32, #tpu.memory_space<vmem>>, vector<16xi32>,
    %shift_right_logical3A_268 = arith.constant 8 : i32
    %shift_right_logical3A_269 = vector.broadcast %shift_right_logical3A_268 : i32 to vector<16xi32>
    %shift_right_logical3A_270 = arith.shrui %get3A_267, %shift_right_logical3A_269 : vector<16xi32>
    %shift_right_logical3A_271 = arith.constant 1 : i32
    %shift_right_logical3A_272 = vector.broadcast %shift_right_logical3A_271 : i32 to vector<16xi32>
    %shift_right_logical3A_273 = arith.shrui %get3A_267, %shift_right_logical3A_272 : vector<16xi32>
    %and3A_274 = arith.constant 127 : i32
    %and3A_275 = vector.broadcast %and3A_274 : i32 to vector<16xi32>
    %and3A_276 = arith.andi %shift_right_logical3A_273, %and3A_275 : vector<16xi32>
    %and3A_277 = arith.constant 1 : i32
    %and3A_278 = vector.broadcast %and3A_277 : i32 to vector<16xi32>
    %and3A_279 = arith.andi %get3A_267, %and3A_278 : vector<16xi32>
    %shift_left3A_280 = arith.constant 4 : i32
    %shift_left3A_281 = vector.broadcast %shift_left3A_280 : i32 to vector<16xi32>
    %shift_left3A_282 = arith.shli %and3A_279, %shift_left3A_281 : vector<16xi32>
    %shift_left3A_283 = arith.shli %broadcast_in_dim3A_65, %shift_left3A_282 : vector<16xi32>
    tpu.vector_store_idx %arg10[%shift_right_logical3A_270, %and3A_276], %shift_left3A_283 {add = true} : memref<40x128xi32, #tpu.memory_space<vmem>>[vector<16xi32>, vector<16xi32>], vector<16xi32>,
    %dma_wait3A_284 = arith.constant 0 : i32
    %dma_wait3A_285 = tpu.memref_slice %arg3[%mul3A_4, %dma_wait3A_284] : memref<320000x128xf32, #tpu.memory_space<hbm>> -> memref<80x128xf32, #tpu.memory_space<hbm>>
    %dma_wait3A_286 = arith.constant 0 : i32
    %dma_wait3A_287 = tpu.memref_slice %arg3[%mul3A_4, %dma_wait3A_286] : memref<320000x128xf32, #tpu.memory_space<hbm>> -> memref<80x128xf32, #tpu.memory_space<hbm>>
    tpu.wait_dma2 semaphore(%arg15 : memref<!tpu.dma_semaphore, #tpu.memory_space<semaphore_mem>>) src(%dma_wait3A_287 : memref<80x128xf32, #tpu.memory_space<hbm>>) dst(%arg8 : memref<80x128xf32, #tpu.memory_space<vmem>>)
    %run_scoped3A_288 = arith.constant 124 : i32
    "tpu.region"() ({
      %run_scoped3A_299 = tpu.sem_alloc : memref<!tpu.dma_semaphore, #tpu.memory_space<semaphore_mem>>
      %dma_start3A_300 = arith.constant 0 : i32
      %dma_start3A_301 = tpu.memref_slice %arg6[%run_scoped3A_288, %dma_start3A_300] : memref<125x80xi32, #tpu.memory_space<vmem>> -> memref<1x80xi32, #tpu.memory_space<vmem>>
      %dma_start3A_302 = tpu.memref_squeeze %dma_start3A_301 : memref<1x80xi32, #tpu.memory_space<vmem>> -> memref<80xi32, #tpu.memory_space<vmem>>
      %dma_start3A_303 = arith.constant 0 : i32
      %dma_start3A_304 = arith.constant 0 : i32
      %dma_start3A_305 = tpu.memref_slice %arg12[%dma_start3A_303, %dma_start3A_304] : memref<10240x128xf32, #tpu.memory_space<vmem_shared>> -> memref<10240x128xf32, #tpu.memory_space<vmem_shared>>
      tpu.enqueue_indirect_dma source(%arg8 : memref<80x128xf32, #tpu.memory_space<vmem>>) target(%dma_start3A_305 : memref<10240x128xf32, #tpu.memory_space<vmem_shared>>) offsets(%dma_start3A_302 : memref<80xi32, #tpu.memory_space<vmem>>) semaphore(%run_scoped3A_299 : memref<!tpu.dma_semaphore, #tpu.memory_space<semaphore_mem>>) {add = true}
      %dma_wait3A_306 = arith.constant 0 : i32
      %dma_wait3A_307 = tpu.memref_slice %arg6[%run_scoped3A_288, %dma_wait3A_306] : memref<125x80xi32, #tpu.memory_space<vmem>> -> memref<1x80xi32, #tpu.memory_space<vmem>>
      %dma_wait3A_308 = tpu.memref_squeeze %dma_wait3A_307 : memref<1x80xi32, #tpu.memory_space<vmem>> -> memref<80xi32, #tpu.memory_space<vmem>>
      %dma_wait3A_309 = arith.constant 0 : i32
      %dma_wait3A_310 = arith.constant 0 : i32
      %dma_wait3A_311 = tpu.memref_slice %arg12[%dma_wait3A_309, %dma_wait3A_310] : memref<10240x128xf32, #tpu.memory_space<vmem_shared>> -> memref<10240x128xf32, #tpu.memory_space<vmem_shared>>
      tpu.wait_indirect_dma semaphore(%run_scoped3A_299 : memref<!tpu.dma_semaphore, #tpu.memory_space<semaphore_mem>>) src(%arg8 : memref<80x128xf32, #tpu.memory_space<vmem>>) dst(%dma_wait3A_311 : memref<10240x128xf32, #tpu.memory_space<vmem_shared>>)
      tpu.yield
    }) : () -> ()
    %barrier3A_289 = arith.constant 0 : index
    tpu.barrier barrier_id(%barrier3A_289)
    "tpu.region"() ({
      %run_scoped3A_299 = tpu.sem_alloc : memref<!tpu.dma_semaphore, #tpu.memory_space<semaphore_mem>>
      %dma_start3A_300 = arith.constant 0 : i32
      %dma_start3A_301 = arith.constant 0 : i32
      %dma_start3A_302 = tpu.memref_slice %arg13[%dma_start3A_300, %dma_start3A_301] : memref<40x128xi32, #tpu.memory_space<vmem_shared>> -> memref<40x128xi32, #tpu.memory_space<vmem_shared>>
      tpu.enqueue_indirect_dma source(%arg10 : memref<40x128xi32, #tpu.memory_space<vmem>>) target(%dma_start3A_302 : memref<40x128xi32, #tpu.memory_space<vmem_shared>>) offsets(%arg11 : memref<40xi32, #tpu.memory_space<vmem>>) semaphore(%run_scoped3A_299 : memref<!tpu.dma_semaphore, #tpu.memory_space<semaphore_mem>>) {add = true}
      %dma_wait3A_303 = arith.constant 0 : i32
      %dma_wait3A_304 = arith.constant 0 : i32
      %dma_wait3A_305 = tpu.memref_slice %arg13[%dma_wait3A_303, %dma_wait3A_304] : memref<40x128xi32, #tpu.memory_space<vmem_shared>> -> memref<40x128xi32, #tpu.memory_space<vmem_shared>>
      tpu.wait_indirect_dma semaphore(%run_scoped3A_299 : memref<!tpu.dma_semaphore, #tpu.memory_space<semaphore_mem>>) src(%arg10 : memref<40x128xi32, #tpu.memory_space<vmem>>) dst(%dma_wait3A_305 : memref<40x128xi32, #tpu.memory_space<vmem_shared>>)
      tpu.yield
    }) : () -> ()
    %barrier3A_290 = arith.constant 0 : index
    tpu.barrier barrier_id(%barrier3A_290)
    %mul3A_291 = arith.constant 10240 : i32
    %mul3A_292 = arith.muli %arg0, %mul3A_291 : i32
    %add3A_293 = arith.addi %mul3A_292, %mul3A_2 : i32
    "tpu.region"() ({
      %run_scoped3A_299 = tpu.sem_alloc : memref<!tpu.dma_semaphore, #tpu.memory_space<semaphore_mem>>
      %dma_start3A_300 = arith.constant 0 : i32
      %dma_start3A_301 = tpu.memref_slice %arg4[%add3A_293, %dma_start3A_300] : memref<20480x128xf32, #tpu.memory_space<hbm>> -> memref<640x128xf32, #tpu.memory_space<hbm>>
      %dma_start3A_302 = arith.constant 0 : i32
      %dma_start3A_303 = tpu.memref_slice %arg12[%mul3A_2, %dma_start3A_302] : memref<10240x128xf32, #tpu.memory_space<vmem_shared>> -> memref<640x128xf32, #tpu.memory_space<vmem_shared>>
      tpu.enqueue_dma source(%dma_start3A_303 : memref<640x128xf32, #tpu.memory_space<vmem_shared>>) target(%dma_start3A_301 : memref<640x128xf32, #tpu.memory_space<hbm>>) target_semaphore(%run_scoped3A_299 : memref<!tpu.dma_semaphore, #tpu.memory_space<semaphore_mem>>)
      %dma_wait3A_304 = arith.constant 0 : i32
      %dma_wait3A_305 = tpu.memref_slice %arg4[%add3A_293, %dma_wait3A_304] : memref<20480x128xf32, #tpu.memory_space<hbm>> -> memref<640x128xf32, #tpu.memory_space<hbm>>
      %dma_wait3A_306 = arith.constant 0 : i32
      %dma_wait3A_307 = tpu.memref_slice %arg12[%mul3A_2, %dma_wait3A_306] : memref<10240x128xf32, #tpu.memory_space<vmem_shared>> -> memref<640x128xf32, #tpu.memory_space<vmem_shared>>
      tpu.wait_dma2 semaphore(%run_scoped3A_299 : memref<!tpu.dma_semaphore, #tpu.memory_space<semaphore_mem>>) src(%dma_wait3A_307 : memref<640x128xf32, #tpu.memory_space<vmem_shared>>) dst(%dma_wait3A_305 : memref<640x128xf32, #tpu.memory_space<hbm>>)
      tpu.yield
    }) : () -> ()
    %eq3A_294 = arith.constant 0 : i32
    %eq3A_295 = arith.cmpi eq, %arg1, %eq3A_294 : i32
    %convert_element_type3A_296 = arith.extui %eq3A_295 : i1 to i32
    %cond3A_297 = arith.constant 0 : i32
    %cond3A_298 = arith.cmpi ne, %convert_element_type3A_296, %cond3A_297 : i32
    scf.if %cond3A_298 {
      %mul3A_299 = arith.constant 40 : i32
      %mul3A_300 = arith.muli %arg0, %mul3A_299 : i32
      "tpu.region"() ({
        %run_scoped3A_301 = tpu.sem_alloc : memref<!tpu.dma_semaphore, #tpu.memory_space<semaphore_mem>>
        %dma_start3A_302 = arith.constant 0 : i32
        %dma_start3A_303 = tpu.memref_slice %arg5[%mul3A_300, %dma_start3A_302] : memref<80x128xi32, #tpu.memory_space<hbm>> -> memref<40x128xi32, #tpu.memory_space<hbm>>
        tpu.enqueue_dma source(%arg13 : memref<40x128xi32, #tpu.memory_space<vmem_shared>>) target(%dma_start3A_303 : memref<40x128xi32, #tpu.memory_space<hbm>>) target_semaphore(%run_scoped3A_301 : memref<!tpu.dma_semaphore, #tpu.memory_space<semaphore_mem>>)
        %dma_wait3A_304 = arith.constant 0 : i32
        %dma_wait3A_305 = tpu.memref_slice %arg5[%mul3A_300, %dma_wait3A_304] : memref<80x128xi32, #tpu.memory_space<hbm>> -> memref<40x128xi32, #tpu.memory_space<hbm>>
        tpu.wait_dma2 semaphore(%run_scoped3A_301 : memref<!tpu.dma_semaphore, #tpu.memory_space<semaphore_mem>>) src(%arg13 : memref<40x128xi32, #tpu.memory_space<vmem_shared>>) dst(%dma_wait3A_305 : memref<40x128xi32, #tpu.memory_space<hbm>>)
        tpu.yield
      }) : () -> ()
    } else {
    }
    return
  }
}

module attributes {stable_mosaic.version = 14 : i64} {
  func.func @_tc_mlp_body(%arg0: i32, %arg1: memref<1x2048x128xf32, #tpu.memory_space<vmem>>, %arg2: memref<1x2048x128xf32, #tpu.memory_space<vmem>>, %arg3: memref<1x8x128xi32, #tpu.memory_space<vmem>>, %arg4: memref<1x8x128xi32, #tpu.memory_space<vmem>>, %arg5: memref<2048x8xf32, #tpu.memory_space<vmem>>, %arg6: memref<2048x128xf32, #tpu.memory_space<vmem>>, %arg7: memref<2048x1xf32, #tpu.memory_space<vmem>>, %arg8: memref<2048x128xf32, #tpu.memory_space<vmem>>, %arg9: memref<128x128xf32, #tpu.memory_space<vmem>>, %arg10: memref<128x128xf32, #tpu.memory_space<vmem>>, %arg11: memref<1x128xf32, #tpu.memory_space<vmem>>, %arg12: memref<128x128xf32, #tpu.memory_space<vmem>>, %arg13: memref<1x128xf32, #tpu.memory_space<vmem>>, %arg14: memref<2048x128xf32, #tpu.memory_space<vmem>>) attributes {dimension_semantics = [#tpu.dimension_semantics<arbitrary>], iteration_bounds = array<i64: 5>, scalar_prefetch = 0 : i64, scratch_operands = 0 : i64, tpu.core_type = #tpu.core_type<tc>, window_params = [{transform_indices = @transform_0, window_bounds = array<i64: 1, 2048, 128>}, {transform_indices = @transform_1, window_bounds = array<i64: 1, 2048, 128>}, {transform_indices = @transform_2, window_bounds = array<i64: 1, 8, 128>}, {transform_indices = @transform_3, window_bounds = array<i64: 1, 8, 128>}, {pipeline_mode = #tpu.pipeline_mode<synchronous>, transform_indices = @transform_4, window_bounds = array<i64: 2048, 8>}, {pipeline_mode = #tpu.pipeline_mode<synchronous>, transform_indices = @transform_5, window_bounds = array<i64: 2048, 128>}, {pipeline_mode = #tpu.pipeline_mode<synchronous>, transform_indices = @transform_6, window_bounds = array<i64: 2048, 1>}, {transform_indices = @transform_7, window_bounds = array<i64: 2048, 128>}, {pipeline_mode = #tpu.pipeline_mode<synchronous>, transform_indices = @transform_8, window_bounds = array<i64: 128, 128>}, {pipeline_mode = #tpu.pipeline_mode<synchronous>, transform_indices = @transform_9, window_bounds = array<i64: 128, 128>}, {pipeline_mode = #tpu.pipeline_mode<synchronous>, transform_indices = @transform_10, window_bounds = array<i64: 1, 128>}, {pipeline_mode = #tpu.pipeline_mode<synchronous>, transform_indices = @transform_11, window_bounds = array<i64: 128, 128>}, {pipeline_mode = #tpu.pipeline_mode<synchronous>, transform_indices = @transform_12, window_bounds = array<i64: 1, 128>}, {transform_indices = @transform_13, window_bounds = array<i64: 2048, 128>}]} {
    %get3A = arith.constant 0 : index
    %get3A_0 = arith.constant 0 : index
    %get3A_1 = arith.constant 0 : index
    %get3A_2 = vector.load %arg1[%get3A, %get3A_0, %get3A_1] : memref<1x2048x128xf32, #tpu.memory_space<vmem>>, vector<1x2048x128xf32>
    %get3A_3 = vector.shape_cast %get3A_2 : vector<1x2048x128xf32> to vector<2048x128xf32>
    %get3A_4 = arith.constant 0 : index
    %get3A_5 = arith.constant 0 : index
    %get3A_6 = arith.constant 0 : index
    %get3A_7 = vector.load %arg2[%get3A_4, %get3A_5, %get3A_6] : memref<1x2048x128xf32, #tpu.memory_space<vmem>>, vector<1x2048x128xf32>
    %get3A_8 = vector.shape_cast %get3A_7 : vector<1x2048x128xf32> to vector<2048x128xf32>
    %add3A = arith.addf %get3A_3, %get3A_8 : vector<2048x128xf32>
    %get3A_9 = arith.constant 0 : index
    %get3A_10 = arith.constant 0 : index
    %get3A_11 = arith.constant 0 : index
    %get3A_12 = vector.load %arg3[%get3A_9, %get3A_10, %get3A_11] : memref<1x8x128xi32, #tpu.memory_space<vmem>>, vector<1x8x128xi32>
    %get3A_13 = vector.shape_cast %get3A_12 : vector<1x8x128xi32> to vector<8x128xi32>
    %get3A_14 = arith.constant 0 : index
    %get3A_15 = arith.constant 0 : index
    %get3A_16 = arith.constant 0 : index
    %get3A_17 = vector.load %arg4[%get3A_14, %get3A_15, %get3A_16] : memref<1x8x128xi32, #tpu.memory_space<vmem>>, vector<1x8x128xi32>
    %get3A_18 = vector.shape_cast %get3A_17 : vector<1x8x128xi32> to vector<8x128xi32>
    %add3A_19 = arith.addi %get3A_13, %get3A_18 : vector<8x128xi32>
    %and3A = arith.constant 65535 : i32
    %and3A_20 = vector.broadcast %and3A : i32 to vector<8x128xi32>
    %and3A_21 = arith.andi %add3A_19, %and3A_20 : vector<8x128xi32>
    %convert_element_type3A = arith.sitofp %and3A_21 : vector<8x128xi32> to vector<8x128xf32>
    %shift_right_arithmetic3A = arith.constant 16 : i32
    %shift_right_arithmetic3A_22 = vector.broadcast %shift_right_arithmetic3A : i32 to vector<8x128xi32>
    %shift_right_arithmetic3A_23 = arith.shrsi %add3A_19, %shift_right_arithmetic3A_22 : vector<8x128xi32>
    %convert_element_type3A_24 = arith.sitofp %shift_right_arithmetic3A_23 : vector<8x128xi32> to vector<8x128xf32>
    %get3A_25 = arith.constant 0 : index
    %get3A_26 = arith.constant 0 : index
    %get3A_27 = vector.load %arg5[%get3A_25, %get3A_26] : memref<2048x8xf32, #tpu.memory_space<vmem>>, vector<2048x8xf32>
    %dot_general3A = arith.constant dense<0.000000e+00> : vector<2048x128xf32>
    %dot_general3A_28 = tpu.matmul %get3A_27, %convert_element_type3A, %dot_general3A {dimension_numbers = #tpu.dot_dimension_numbers<[1], [0], [0], [1], [0, 0, 1, 1], [], []>, transpose_lhs_hint = false} : vector<2048x8xf32>, vector<8x128xf32>, vector<2048x128xf32> -> vector<2048x128xf32>
    %get3A_29 = arith.constant 0 : index
    %get3A_30 = arith.constant 0 : index
    %get3A_31 = vector.load %arg5[%get3A_29, %get3A_30] : memref<2048x8xf32, #tpu.memory_space<vmem>>, vector<2048x8xf32>
    %dot_general3A_32 = arith.constant dense<0.000000e+00> : vector<2048x128xf32>
    %dot_general3A_33 = tpu.matmul %get3A_31, %convert_element_type3A_24, %dot_general3A_32 {dimension_numbers = #tpu.dot_dimension_numbers<[1], [0], [0], [1], [0, 0, 1, 1], [], []>, transpose_lhs_hint = false} : vector<2048x8xf32>, vector<8x128xf32>, vector<2048x128xf32> -> vector<2048x128xf32>
    %get3A_34 = arith.constant 0 : index
    %get3A_35 = arith.constant 0 : index
    %get3A_36 = vector.load %arg7[%get3A_34, %get3A_35] : memref<2048x1xf32, #tpu.memory_space<vmem>>, vector<2048x1xf32>
    %mul3A = vector.broadcast %get3A_36 : vector<2048x1xf32> to vector<2048x128xf32>
    %mul3A_37 = arith.mulf %dot_general3A_28, %mul3A : vector<2048x128xf32>
    %get3A_38 = arith.constant 0 : index
    %get3A_39 = arith.constant 0 : index
    %get3A_40 = vector.load %arg7[%get3A_38, %get3A_39] : memref<2048x1xf32, #tpu.memory_space<vmem>>, vector<2048x1xf32>
    %sub3A = arith.constant 1.000000e+00 : f32
    %sub3A_41 = vector.broadcast %sub3A : f32 to vector<2048x1xf32>
    %sub3A_42 = arith.subf %sub3A_41, %get3A_40 : vector<2048x1xf32>
    %mul3A_43 = vector.broadcast %sub3A_42 : vector<2048x1xf32> to vector<2048x128xf32>
    %mul3A_44 = arith.mulf %dot_general3A_33, %mul3A_43 : vector<2048x128xf32>
    %add3A_45 = arith.addf %mul3A_37, %mul3A_44 : vector<2048x128xf32>
    %get3A_46 = arith.constant 0 : index
    %get3A_47 = arith.constant 0 : index
    %get3A_48 = vector.load %arg6[%get3A_46, %get3A_47] : memref<2048x128xf32, #tpu.memory_space<vmem>>, vector<2048x128xf32>
    %mul3A_49 = arith.mulf %add3A_45, %get3A_48 : vector<2048x128xf32>
    %reduce_sum3A = arith.constant dense<0.000000e+00> : vector<2048xf32>
    %reduce_sum3A_50 = vector.multi_reduction <add>, %mul3A_49, %reduce_sum3A [1] : vector<2048x128xf32> to vector<2048xf32>
    %broadcast_in_dim3A = vector.shape_cast %reduce_sum3A_50 : vector<2048xf32> to vector<2048x1xf32>
    %max3A = arith.constant 1.000000e+00 : f32
    %max3A_51 = vector.broadcast %max3A : f32 to vector<2048x1xf32>
    %max3A_52 = arith.maximumf %broadcast_in_dim3A, %max3A_51 : vector<2048x1xf32>
    %div3A = vector.broadcast %max3A_52 : vector<2048x1xf32> to vector<2048x128xf32>
    %div3A_53 = arith.divf %add3A, %div3A : vector<2048x128xf32>
    %get3A_54 = arith.constant 0 : index
    %get3A_55 = arith.constant 0 : index
    %get3A_56 = vector.load %arg9[%get3A_54, %get3A_55] : memref<128x128xf32, #tpu.memory_space<vmem>>, vector<128x128xf32>
    %dot_general3A_57 = arith.constant dense<0.000000e+00> : vector<2048x128xf32>
    %dot_general3A_58 = tpu.matmul %div3A_53, %get3A_56, %dot_general3A_57 {dimension_numbers = #tpu.dot_dimension_numbers<[1], [0], [0], [1], [0, 0, 1, 1], [], []>, transpose_lhs_hint = false} : vector<2048x128xf32>, vector<128x128xf32>, vector<2048x128xf32> -> vector<2048x128xf32>
    %get3A_59 = arith.constant 0 : index
    %get3A_60 = arith.constant 0 : index
    %get3A_61 = vector.load %arg8[%get3A_59, %get3A_60] : memref<2048x128xf32, #tpu.memory_space<vmem>>, vector<2048x128xf32>
    %get3A_62 = arith.constant 0 : index
    %get3A_63 = arith.constant 0 : index
    %get3A_64 = vector.load %arg10[%get3A_62, %get3A_63] : memref<128x128xf32, #tpu.memory_space<vmem>>, vector<128x128xf32>
    %dot_general3A_65 = arith.constant dense<0.000000e+00> : vector<2048x128xf32>
    %dot_general3A_66 = tpu.matmul %get3A_61, %get3A_64, %dot_general3A_65 {dimension_numbers = #tpu.dot_dimension_numbers<[1], [0], [0], [1], [0, 0, 1, 1], [], []>, transpose_lhs_hint = false} : vector<2048x128xf32>, vector<128x128xf32>, vector<2048x128xf32> -> vector<2048x128xf32>
    %add3A_67 = arith.addf %dot_general3A_58, %dot_general3A_66 : vector<2048x128xf32>
    %get3A_68 = arith.constant 0 : index
    %get3A_69 = arith.constant 0 : index
    %get3A_70 = vector.load %arg11[%get3A_68, %get3A_69] : memref<1x128xf32, #tpu.memory_space<vmem>>, vector<1x128xf32>
    %add3A_71 = vector.broadcast %get3A_70 : vector<1x128xf32> to vector<2048x128xf32>
    %add3A_72 = arith.addf %add3A_67, %add3A_71 : vector<2048x128xf32>
    %max3A_73 = arith.constant 0.000000e+00 : f32
    %max3A_74 = vector.broadcast %max3A_73 : f32 to vector<2048x128xf32>
    %max3A_75 = arith.maximumf %add3A_72, %max3A_74 : vector<2048x128xf32>
    %get3A_76 = arith.constant 0 : index
    %get3A_77 = arith.constant 0 : index
    %get3A_78 = vector.load %arg12[%get3A_76, %get3A_77] : memref<128x128xf32, #tpu.memory_space<vmem>>, vector<128x128xf32>
    %dot_general3A_79 = arith.constant dense<0.000000e+00> : vector<2048x128xf32>
    %dot_general3A_80 = tpu.matmul %max3A_75, %get3A_78, %dot_general3A_79 {dimension_numbers = #tpu.dot_dimension_numbers<[1], [0], [0], [1], [0, 0, 1, 1], [], []>, transpose_lhs_hint = false} : vector<2048x128xf32>, vector<128x128xf32>, vector<2048x128xf32> -> vector<2048x128xf32>
    %get3A_81 = arith.constant 0 : index
    %get3A_82 = arith.constant 0 : index
    %get3A_83 = vector.load %arg13[%get3A_81, %get3A_82] : memref<1x128xf32, #tpu.memory_space<vmem>>, vector<1x128xf32>
    %add3A_84 = vector.broadcast %get3A_83 : vector<1x128xf32> to vector<2048x128xf32>
    %add3A_85 = arith.addf %dot_general3A_80, %add3A_84 : vector<2048x128xf32>
    %swap3A = arith.constant 0 : index
    %swap3A_86 = arith.constant 0 : index
    %swap3A_87 = vector.load %arg14[%swap3A, %swap3A_86] : memref<2048x128xf32, #tpu.memory_space<vmem>>, vector<2048x128xf32>
    tpu.vector_store %arg14[%swap3A, %swap3A_86], %add3A_85 {strides = array<i32>} : memref<2048x128xf32, #tpu.memory_space<vmem>>, vector<2048x128xf32>,
    return
  }
  func.func @transform_0(%arg0: i32) -> (i32, i32, i32) {
    %c0_i32 = arith.constant 0 : i32
    %c0_i32_0 = arith.constant 0 : i32
    %c0_i32_1 = arith.constant 0 : i32
    return %c0_i32, %arg0, %c0_i32_0 : i32, i32, i32
  }
  func.func @transform_1(%arg0: i32) -> (i32, i32, i32) {
    %c1_i32 = arith.constant 1 : i32
    %c0_i32 = arith.constant 0 : i32
    %c0_i32_0 = arith.constant 0 : i32
    return %c1_i32, %arg0, %c0_i32 : i32, i32, i32
  }
  func.func @transform_2(%arg0: i32) -> (i32, i32, i32) {
    %c0_i32 = arith.constant 0 : i32
    %c0_i32_0 = arith.constant 0 : i32
    %c0_i32_1 = arith.constant 0 : i32
    return %c0_i32, %arg0, %c0_i32_0 : i32, i32, i32
  }
  func.func @transform_3(%arg0: i32) -> (i32, i32, i32) {
    %c1_i32 = arith.constant 1 : i32
    %c0_i32 = arith.constant 0 : i32
    %c0_i32_0 = arith.constant 0 : i32
    return %c1_i32, %arg0, %c0_i32 : i32, i32, i32
  }
  func.func @transform_4(%arg0: i32) -> (i32, i32) {
    %c0_i32 = arith.constant 0 : i32
    %c0_i32_0 = arith.constant 0 : i32
    %c0_i32_1 = arith.constant 0 : i32
    return %c0_i32, %c0_i32_0 : i32, i32
  }
  func.func @transform_5(%arg0: i32) -> (i32, i32) {
    %c0_i32 = arith.constant 0 : i32
    %c0_i32_0 = arith.constant 0 : i32
    %c0_i32_1 = arith.constant 0 : i32
    return %c0_i32, %c0_i32_0 : i32, i32
  }
  func.func @transform_6(%arg0: i32) -> (i32, i32) {
    %c0_i32 = arith.constant 0 : i32
    %c0_i32_0 = arith.constant 0 : i32
    %c0_i32_1 = arith.constant 0 : i32
    return %c0_i32, %c0_i32_0 : i32, i32
  }
  func.func @transform_7(%arg0: i32) -> (i32, i32) {
    %c0_i32 = arith.constant 0 : i32
    %c0_i32_0 = arith.constant 0 : i32
    return %arg0, %c0_i32 : i32, i32
  }
  func.func @transform_8(%arg0: i32) -> (i32, i32) {
    %c0_i32 = arith.constant 0 : i32
    %c0_i32_0 = arith.constant 0 : i32
    %c0_i32_1 = arith.constant 0 : i32
    return %c0_i32, %c0_i32_0 : i32, i32
  }
  func.func @transform_9(%arg0: i32) -> (i32, i32) {
    %c0_i32 = arith.constant 0 : i32
    %c0_i32_0 = arith.constant 0 : i32
    %c0_i32_1 = arith.constant 0 : i32
    return %c0_i32, %c0_i32_0 : i32, i32
  }
  func.func @transform_10(%arg0: i32) -> (i32, i32) {
    %c0_i32 = arith.constant 0 : i32
    %c0_i32_0 = arith.constant 0 : i32
    %c0_i32_1 = arith.constant 0 : i32
    return %c0_i32, %c0_i32_0 : i32, i32
  }
  func.func @transform_11(%arg0: i32) -> (i32, i32) {
    %c0_i32 = arith.constant 0 : i32
    %c0_i32_0 = arith.constant 0 : i32
    %c0_i32_1 = arith.constant 0 : i32
    return %c0_i32, %c0_i32_0 : i32, i32
  }
  func.func @transform_12(%arg0: i32) -> (i32, i32) {
    %c0_i32 = arith.constant 0 : i32
    %c0_i32_0 = arith.constant 0 : i32
    %c0_i32_1 = arith.constant 0 : i32
    return %c0_i32, %c0_i32_0 : i32, i32
  }
  func.func @transform_13(%arg0: i32) -> (i32, i32) {
    %c0_i32 = arith.constant 0 : i32
    %c0_i32_0 = arith.constant 0 : i32
    return %arg0, %c0_i32 : i32, i32
  }
}

</mosaic_0001>

<sc_bundles>
// kernel: kernel.4.cloned.1.call-start
scs
__scs_entry_jumppad:
0x0: {  	(pc) =	sbr.rel $0x88, $3  }
0x1: {  	(tag) =	ssettag $0x0;
	lr =	simm.s32 $0x1  }
0x2: {  	[smem:$0x3F9A] =	sst lr;
	_ =	strace $0xD0000000  }
0x3: {  	_ = 	snop  }
0x4: {  	_ = 	snop  }
0x5: {  	_ = 	snop  }
0x6: {  	_ = 	snop  }
0x7: {  	_ = 	snop  }
__scs_overlays_trampoline_lowered:
0x8: {  	[smem:$0x3FA9] =	sst s0  }
0x9: {  	[smem:$0x3FAA] =	sst s1  }
0xa: {  	[smem:$0x3FAB] =	sst s2  }
0xb: {  	[smem:$0x3FAC] =	sst s3  }
0xc: {  	[smem:$0x3FAD] =	sst s4  }
0xd: {  	[smem:$0x3FAE] =	sst s5  }
0xe: {  	[smem:$0x3FAF] =	sst s6  }
0xf: {  	[smem:$0x3FB0] =	sst s7  }
0x10: {  	[smem:$0x3FB1] =	sst s8  }
0x11: {  	[smem:$0x3FB2] =	sst s9;
	s0 =	simm.s32 @!p0 $0x0  }
0x12: {  	s1 =	sld [smem:$0x3F98];
	s0 =	simm.s32 @p0 $0x1  }
0x13: {  	[smem:$0x3FB3] =	sst s0;
	s0 =	simm.s32 @!p1 $0x0  }
0x14: {  	s2 =	sld [smem:$0x3F97];
	s0 =	simm.s32 @p1 $0x1  }
0x15: {  	[smem:$0x3FB4] =	sst s0;
	s0 =	simm.s32 @!p2 $0x0  }
0x16: {  	s3 =	sld [smem:$0x3FDB];
	s0 =	simm.s32 @p2 $0x1  }
0x17: {  	s4 =	simm.s32 $0x1BF5;
	[smem:$0x3FB6] =	sst s0  }
0x18: {  	s0 =	sld [smem:$0x3F99];
	_ =	swait.ge [sflag:s4], $0x0  }
0x19: {  	s7 =	sld [smem:$0x3F9A]  }
0x1a: {  	s8 =	sadd.s32 $0xFFFFE003, lr  }
0x1b: {  	s9 =	sadd.s32 $0xFFFFFEF7, lr;
	s5 =	simm.s32 $0xFFFFFFFF;
	p2 =	slt.u32 s8, $0xFFFFF086  }
0x1c: {  	p1 =	slt.u32 s9, $0xF7A;
	s5 =	simm.s32 @!p2 $0x0  }
0x1d: {  	s5 =	simm.s32 @p1 $0x1;
	p0 =	seq.s32 s7, s2  }
0x1e: {  	s7 =	smul.u32 @!p0 $0xF7A, s2;
	p2 =	seq.s32 @!p0 s5, $0x0  }
0x1f: {  	s9 =	smul.u32 $0xF7A, s1;
	s8 =	simm.s32 @!p0 $0x1BF5;
	p2 =	por !p2, p0  }
0x20: {  	[sflag:s8] =	ssyncset.s32 @!p0 $0xFFFFF086;
	s6 =	sadd.s32 @!p0 s3, s7;
	s7 =	simm.s32 @!p0 $0x108  }
0x21: {  	s3 =	sadd.s32 s3, s9;
	s6 =	sadd.s32 @!p0 $0x88, s6;
	s7 =	simm.s32 @p2 $0x1082  }
0x22: {  	[simem:s7], [sflag:s8] =	dma.local @!p0 [hbm:s6], $0xF7A  }
0x23: {  	s9 =	sor.u32 $0xD0000000, s2;
	s6 =	simm.s32 $0x108;
	_ =	swait.ge @!p0 [sflag:s8], $0x0  }
0x24: {  	s3 =	sadd.s32 $0x88, s3;
	s6 =	simm.s32 @!p1 $0x1082;
	[sflag:s4] =	ssyncset.s32 $0xFFFFF086  }
0x25: {  	[simem:s6], [sflag:s4] =	dma.local [hbm:s3], $0xF7A  }
0x26: {  	[smem:$0x3F9A] =	sst s1;
	(tag) =	ssettag s2;
	_ =	strace s9  }
0x27: {  	s1 =	sld [smem:$0x3FAA]  }
0x28: {  	s2 =	sld [smem:$0x3FAB]  }
0x29: {  	s4 =	sld [smem:$0x3FAD]  }
0x2a: {  	p0 =	seq.s32 s5, $0x0;
	s5 =	sld [smem:$0x3FAE]  }
0x2b: {  	s6 =	sld [smem:$0x3FAF]  }
0x2c: {  	s7 =	sld [smem:$0x3FB0]  }
0x2d: {  	s3 =	simm.s32 $0x108;
	s8 =	sld [smem:$0x3FB1]  }
0x2e: {  	s3 =	simm.s32 @!p0 $0x1082;
	s9 =	sld [smem:$0x3FB2]  }
0x2f: {  	lr =	sadd.s32 s0, s3;
	s0 =	sld [smem:$0x3FA9]  }
0x30: {  	s3 =	sld [smem:$0x3FAC]  }
0x31: {  	[smem:$0x3FB5] =	sst s10  }
0x32: {  	s10 =	sld [smem:$0x3FB3];
	_ =	sdelay $0x3  }
0x33: {  	p0 =	seq.s32 s10, $0x1;
	s10 =	sld [smem:$0x3FB5];
	_ =	sdelay $0x3  }
0x34: {  	[smem:$0x3FB5] =	sst s10  }
0x35: {  	s10 =	sld [smem:$0x3FB4];
	_ =	sdelay $0x3  }
0x36: {  	p1 =	seq.s32 s10, $0x1;
	s10 =	sld [smem:$0x3FB5];
	_ =	sdelay $0x3  }
0x37: {  	[smem:$0x3FB5] =	sst s10  }
0x38: {  	s10 =	sld [smem:$0x3FB6]  }
0x39: {  	_ = 	snop;
	(pc) =	sbr.ind lr, $3  }
0x3a: {  	_ = 	snop  }
0x3b: {  	_ = 	snop  }
0x3c: {  	p2 =	seq.s32 s10, $0x1;
	s10 =	sld [smem:$0x3FB5]  }
0x3d: {  	_ =	shalt  }
0x3e: {  	_ =	shalt  }
0x3f: {  	_ =	shalt  }
0x40: {  	_ =	shalt  }
0x41: {  	_ =	shalt  }
0x42: {  	_ =	shalt  }
0x43: {  	_ =	shalt  }
0x44: {  	_ =	shalt  }
0x45: {  	_ =	shalt  }
0x46: {  	_ =	shalt  }
0x47: {  	_ =	shalt  }
0x48: {  	_ =	shalt  }
0x49: {  	_ =	shalt  }
0x4a: {  	_ =	shalt  }
0x4b: {  	_ =	shalt  }
0x4c: {  	_ =	shalt  }
0x4d: {  	_ =	shalt  }
0x4e: {  	_ =	shalt  }
0x4f: {  	_ =	shalt  }
0x50: {  	_ =	shalt  }
0x51: {  	_ =	shalt  }
0x52: {  	_ =	shalt  }
0x53: {  	_ =	shalt  }
0x54: {  	_ =	shalt  }
0x55: {  	_ =	shalt  }
0x56: {  	_ =	shalt  }
0x57: {  	_ =	shalt  }
0x58: {  	_ =	shalt  }
0x59: {  	_ =	shalt  }
0x5a: {  	_ =	shalt  }
0x5b: {  	_ =	shalt  }
0x5c: {  	_ =	shalt  }
0x5d: {  	_ =	shalt  }
0x5e: {  	_ =	shalt  }
0x5f: {  	_ =	shalt  }
0x60: {  	_ =	shalt  }
0x61: {  	_ =	shalt  }
0x62: {  	_ =	shalt  }
0x63: {  	_ =	shalt  }
0x64: {  	_ =	shalt  }
0x65: {  	_ =	shalt  }
0x66: {  	_ =	shalt  }
0x67: {  	_ =	shalt  }
0x68: {  	_ =	shalt  }
0x69: {  	_ =	shalt  }
0x6a: {  	_ =	shalt  }
0x6b: {  	_ =	shalt  }
0x6c: {  	_ =	shalt  }
0x6d: {  	_ =	shalt  }
0x6e: {  	_ =	shalt  }
0x6f: {  	_ =	shalt  }
0x70: {  	_ =	shalt  }
0x71: {  	_ =	shalt  }
0x72: {  	_ =	shalt  }
0x73: {  	_ =	shalt  }
0x74: {  	_ =	shalt  }
0x75: {  	_ =	shalt  }
0x76: {  	_ =	shalt  }
0x77: {  	_ =	shalt  }
0x78: {  	_ =	shalt  }
0x79: {  	_ =	shalt  }
0x7a: {  	_ =	shalt  }
0x7b: {  	_ =	shalt  }
0x7c: {  	_ =	shalt  }
0x7d: {  	_ =	shalt  }
0x7e: {  	_ =	shalt  }
0x7f: {  	_ =	shalt  }
0x80: {  	_ =	shalt  }
0x81: {  	_ =	shalt  }
0x82: {  	_ =	shalt  }
0x83: {  	_ =	shalt  }
0x84: {  	_ =	shalt  }
0x85: {  	_ =	shalt  }
0x86: {  	_ =	shalt  }
0x87: {  	_ =	shalt  }
.Lfunc_end0:
.L_simem_size_0:
called_computation_lowered:
.L_overlay_start_0:
0x88: {  	s2 =	sld [smem:$0x3FD9]  }
0x89: {  	s3 =	sld [smem:$0x3FFE];
	_ =	sdelay $0x1  }
0x8a: {  	s1 =	srdreg.scid  }
0x8b: {  	s0 =	sand.u32 $0x1, s1  }
0x8c: {  	s17 =	sshll.u32 s0, $0xA;
	s2 =	sadd.s32 s3, s2  }
0x8d: {  	s2 =	sadd.s32 s2, s17  }
0x8e: {  	[smem:$0x3FC1] =	sst s2  }
0x8f: {  	_ = 	snop  }
0x90: {  	s2 =	sld [smem:$0x3FC7]  }
0x91: {  	s18 =	sld [smem:$0x3FD0];
	(tm) =	ssettm $0x1  }
0x92: {  	s4 =	sld [smem:$0x3FFB];
	_ =	sdelay $0x3  }
0x93: {  	_ =	strace s4  }
0x94: {  	s4 =	sld [smem:$0x3FFC];
	_ =	sdelay $0x3  }
0x95: {  	_ =	strace s4  }
0x96: {  	s4 =	sld [smem:$0x3FFD];
	_ =	sdelay $0x3  }
0x97: {  	_ =	strace s4  }
0x98: {  	_ =	strace $0x8FFFFFFF  }
0x99: {  	s19 =	sld [smem:$0x3FDB];
	_ =	sdelay $0x1  }
0x9a: {  	s5 =	simm.s32 $_scs_section_size  }
0x9b: {  	s6 =	simm.s32 $_size__tile_overlayer_lowered;
	s7 =	simm.s32 $_tile_overlayer_lowered  }
0x9c: {  	s22 =	simm.s32 $0x1BFF;
	s21 =	sshll.u32 s7, $0x1;
	s4 =	sadd.s32 s5, s19  }
0x9d: {  	s8 =	simm.s32 $0x0;
	s20 =	sshll.u32 s6, $0x1;
	s6 =	sadd.s32 s21, s4  }
0x9e: {  	[timem:s8], [sflag:s22] =	dma.local [hbm:s6], s20  }
0x9f: {  	_ =	swait.ge [sflag:s22], s20  }
0xa0: {  	s5 =	ssub.s32 $0x0, s20;
	[sflag:s22] =	ssyncset.done $0x0  }
0xa1: {  	[sflag:s22] =	ssyncadd.s32 s5;
	_ =	sdelay $0x1  }
0xa2: {  	s23 =	simm.s32 $0x1B8B  }
0xa3: {  	_ =	swait.ge [sflag:s23], $0x1  }
0xa4: {  	[sflag:s23] =	ssyncset.done $0x0  }
0xa5: {  	s25 =	simm.s32 $0x1B8E;
	s24 =	sld [smem:$0x3FFE];
	[sflag:s23] =	ssyncadd.s32 $0xFFFFFFFF  }
0xa6: {  	s26 =	simm.s32 $execute0_lowered;
	[smem:$0x3FD2] =	sst s25  }
0xa7: {  	s6 =	sshll.u32 s26, $0x1;
	_ =	strace $0x80000046;
	[dreg:$0x1] =	wrdreg $0xFFFFFFFF  }
0xa8: {  	s28 =	simm.s32 $_size_execute0_lowered;
	s4 =	sadd.s32 s4, s6;
	[dreg:$0x0] =	wrdreg $0x0  }
0xa9: {  	s6 =	sshll.u32 s28, $0x1;
	[dreg:$0x2] =	wrdreg s4  }
0xaa: {  	[dreg:$0x3] =	wrdreg s6  }
0xab: {  	[dreg:$0x4] =	wrdreg $0xC0  }
0xac: {  	_ =	task [dreg:s8], $0x5FFFF  }
0xad: {  	[dreg:$0x1] =	wrdreg $0xFFFFFFFF  }
0xae: {  	[dreg:$0x0] =	wrdreg $0x60  }
0xaf: {  	[dreg:$0x2] =	wrdreg s18  }
0xb0: {  	[dreg:$0x3] =	wrdreg s2  }
0xb1: {  	[dreg:$0x4] =	wrdreg s24  }
0xb2: {  	[dreg:$0x5] =	wrdreg $0xB3380  }
0xb3: {  	[dreg:$0x6] =	wrdreg $0x1F3380  }
0xb4: {  	[dreg:$0x7] =	wrdreg $0x9  }
0xb5: {  	_ =	task.clear_ibuf [dreg:s8], $0x8FFFF;
	_ =	strace $0x90000046  }
0xb6: {  	s29 =	simm.s32 $0x9;
	_ =	strace $0x80000048  }
0xb7: {  	_ =	swait.ge [sflag:s29], $0x1  }
0xb8: {  	[sflag:s29] =	ssyncadd.s32 $0xFFFFFFFF  }
0xb9: {  	_ =	strace $0x90000048  }
0xba: {  	_ =	sfence  }
0xbb: {  	s30 =	sld [smem:$0x0];
	_ =	sdelay $0x2  }
0xbc: {  	s31 =	sshll.u32 s1, $0xD;
	s1 =	sshrl.u32 s1, $0x2  }
0xbd: {  	s3 =	sand.u32 $0x4000, s31;
	s1 =	sadd.s32 s1, s30  }
0xbe: {  	s0 =	sor.u32 s3, s0;
	s1 =	sshll.u32 s1, $0x11  }
0xbf: {  	s0 =	sor.u32 s1, s0  }
0xc0: {  	s0 =	sadd.s32 $0x8F2B, s0  }
0xc1: {  	[sflag:s0] =	ssyncadd.remote.s32 $0x1  }
0xc2: {  	_ =	sfence.sel $0xFFFF  }
0xc3: {  	[dreg:$0x0] =	wrdreg $0xFFFFFFFF;
	(pc) =	sbr.abs _section_cstart, $3  }
0xc4: {  	[dreg:$0x1] =	wrdreg $0xFFFFFFFF  }
0xc5: {  	_ =	task.clear_ibuf [dreg:s8], $0x2FFFF;
	_ =	strace $0x9FFFFFFF  }
0xc6: {  	(tm) =	ssettm $0x7FFFFFFF  }
0xc7: {  	_ =	shalt  }
tec
execute0_lowered:
.L_overlay_start_1:
0x0: {  	(tag) =	ssettag $0x1  }
0x1: {  	s0 =	rddreg [dreg:$0x0]  }
0x2: {  	s3 =	rddreg [dreg:$0x1]  }
0x3: {  	s5 =	rddreg [dreg:$0x2]  }
0x4: {  	s1 =	rddreg [dreg:$0x3]  }
0x5: {  	s2 =	rddreg [dreg:$0x4]  }
0x6: {  	s6 =	srdreg.scid;
	s19 =	stileid.u32;
	s4 =	simm.s32 $0x0  }
0x7: {  	s28 =	simm.s32 $0x9F10;
	s29 =	simm.s32 $0x50;
	s7 =	smul.u32 $0x2800, s19  }
0x8: {  	s30 =	simm.s32 $0x2;
	s31 =	simm.s32 $0x3;
	s11 =	smul.u32 $0x50000, s19  }
0x9: {  	s6 =	sand.u32 $0x1, s6;
	[smem:$0x7FF] =	sst s4;
	s25 =	smul.u32 $0x2710, s19  }
0xa: {  	p0 =	sne.s32 s19, $0x0;
	s8 =	smul.u32 $0x28000, s6;
	_ =	strace $0x80000047  }
0xb: {  	s15 =	smul.u32 $0x280, s6;
	s9 =	sshll.u32 s6, $0x4;
	s10 =	ssub.s32 $0x2, s6  }
0xc: {  	s6 =	smul.u32 $0x27100, s6;
	s9 =	sor.u32 s19, s9;
	s12 =	sshrl.u32 s10, $0x1  }
0xd: {  	s16 =	sshrl.u32 s11, $0x2;
	s7 =	sadd.s32 s7, s8;
	s13 =	smul.u32 $0x2710, s9  }
0xe: {  	s8 =	sadd.s32 s15, s5;
	s18 =	ssub.s32 s10, s12;
	s14 =	smul.u32 $0x27100, s9  }
0xf: {  	s21 =	smul.u32 $0x138800, s9;
	s6 =	sadd.s32 s25, s6;
	s25 =	simm.s32 $0x4F10  }
0x10: {  	s7 =	sadd.s32 s7, s5;
	s5 =	sadd.s32 s16, s1;
	s26 =	sshll.u32 s6, $0x4  }
0x11: {  	s18 =	smax.u32 s18, $0x1;
	s17 =	sshrl.u32 s13, $0x3;
	s20 =	sadd.s32 $0x2800, s5  }
0x12: {  	s22 =	sadd.s32 $0x5000, s5;
	s23 =	sadd.s32 $0x7800, s5;
	[dreg:$0x7] =	wrdreg s20  }
0x13: {  	s24 =	sadd.s32 $0xA000, s5;
	s11 =	sadd.s32 $0xC800, s5;
	[dreg:$0x8] =	wrdreg s22  }
0x14: {  	s12 =	sadd.s32 $0xF000, s5;
	s13 =	sadd.s32 $0x11800, s5;
	[dreg:$0x9] =	wrdreg s23  }
0x15: {  	s14 =	sadd.s32 s3, s14;
	s0 =	sadd.s32 s0, s17;
	[dreg:$0xa] =	wrdreg s24  }
0x16: {  	s16 =	sadd.s32 $0x2000, s7;
	[dreg:$0x6] =	wrdreg s0;
	s0 =	sshrl.u32 s21, $0x3  }
0x17: {  	s17 =	sadd.s32 $0x52000, s8;
	s22 =	simm.s32 $0x2710;
	s0 =	sadd.s32 s3, s0  }
0x18: {  	s23 =	simm.s32 $0x4;
	s15 =	sadd.s32 $0x500, s0;
	s0 =	sadd.s32 s3, s26  }
0x19: {  	v0 =	vlaneseq.u32;
	v3 =	vimm.s32 $0x0;
	v4 =	vimm.f32 $0.0e+00;
	s24 =	simm.s32 $0x1;
	s26 =	simm.s32 $0x7710;
	s8 =	sadd.s32 $0x1400, s0  }
0x1a: {  	v5 =	vimm.s32 $0x1;
	v1 =	vor.u32 $0x10, v0;
	v2 =	vadd.s32 $0x18, v0;
	s7 =	sadd.s32 $0xF00, s0;
	s6 =	sadd.s32 $0xA00, s0;
	s0 =	simm.s32 $0x0  }
.LBB2_1:
0x1b: {  	s3 =	rddreg [dreg:$0x6]  }
0x1c: {  	[tilespmem:s4], [sflag:$0x1] =	stream.linear.gather [hbm4b:s3+s4], $0x2710, $0x38;
	[tilespmem:$0x1F478] =	vst v63  }
0x1d: {  	[tilespmem:$0xB310] =	vst v0  }
0x1e: {  	[tilespmem:$0xB320] =	vst v1  }
0x1f: {  	s9 =	simm.s32 $0x200;
	s3 =	simm.s32 $0x0;
	[tilespmem:$0xB328] =	vst v2  }
.LBB2_2:
0x20: {  	p1 =	sne.s32 s9, $0x4E00;
	[tilespmem:s3+$0x9F80] =	vst v3  }
0x21: {  	[tilespmem:s3+$0x9F10] =	vst v3  }
0x22: {  	[tilespmem:s3+$0x9F20] =	vst v3  }
.Ltmp0:
0x23: {  	[tilespmem:s3+$0x9F30] =	vst v3;
	(pc) =	sbr.rel @p1 .LBB2_2-.Ltmp0, $4  }
0x24: {  	[tilespmem:s3+$0x9F40] =	vst v3  }
0x25: {  	[tilespmem:s3+$0x9F50] =	vst v3  }
0x26: {  	[tilespmem:s3+$0x9F60] =	vst v3  }
0x27: {  	[tilespmem:s3+$0x9F70] =	vst v3;
	s3 =	sshra.s32 s9, $0x2;
	s9 =	sadd.s32 $0x200, s9  }
0x28: {  	[tilespmem:s3+$0x9F80] =	vst v3  }
0x29: {  	[tilespmem:s3+$0x9F10] =	vst v3  }
0x2a: {  	[tilespmem:s3+$0x9F20] =	vst v3  }
0x2b: {  	[tilespmem:s3+$0x9F30] =	vst v3  }
0x2c: {  	[tilespmem:s3+$0x9F40] =	vst v3  }
0x2d: {  	[tilespmem:s3+$0x9F50] =	vst v3  }
0x2e: {  	[tilespmem:s3+$0x9F60] =	vst v3  }
0x2f: {  	[tilespmem:s3+$0x9F70] =	vst v3;
	s3 =	simm.s32 $0x0;
	s9 =	simm.s32 $0x200  }
.LBB2_4:
0x30: {  	p1 =	sne.s32 s9, $0x9E00;
	[tilespmem:s3+$0x2780] =	vst v4  }
0x31: {  	[tilespmem:s3+$0x2710] =	vst v4  }
0x32: {  	[tilespmem:s3+$0x2720] =	vst v4  }
.Ltmp1:
0x33: {  	[tilespmem:s3+$0x2730] =	vst v4;
	(pc) =	sbr.rel @p1 .LBB2_4-.Ltmp1, $4  }
0x34: {  	[tilespmem:s3+$0x2740] =	vst v4  }
0x35: {  	[tilespmem:s3+$0x2750] =	vst v4  }
0x36: {  	[tilespmem:s3+$0x2760] =	vst v4  }
0x37: {  	[tilespmem:s3+$0x2770] =	vst v4;
	s3 =	sshra.s32 s9, $0x2;
	s9 =	sadd.s32 $0x200, s9  }
0x38: {  	[tilespmem:s3+$0x2780] =	vst v4  }
0x39: {  	[tilespmem:s3+$0x2710] =	vst v4  }
0x3a: {  	[tilespmem:s3+$0x2720] =	vst v4  }
0x3b: {  	[tilespmem:s3+$0x2730] =	vst v4  }
0x3c: {  	[tilespmem:s3+$0x2740] =	vst v4  }
0x3d: {  	[tilespmem:s3+$0x2750] =	vst v4  }
0x3e: {  	[tilespmem:s3+$0x2760] =	vst v4  }
0x3f: {  	[tilespmem:s3+$0x2770] =	vst v4  }
0x40: {  	[spmem:s5] =	stream.linear.scatter [tilespmem:s22], [sflag:$0x4], $0x2800, $0x38;
	[tilespmem:$0x1F478] =	vst v63  }
0x41: {  	_ =	swait.ge [sflag:s23], $0x2800  }
0x42: {  	[sflag:s23] =	ssyncset.done $0x0  }
0x43: {  	s10 =	rddreg [dreg:$0x7];
	[sflag:s23] =	ssyncadd.s32 $0xFFFFD800  }
0x44: {  	[spmem:s10] =	stream.linear.scatter [tilespmem:s22], [sflag:$0x4], $0x2800, $0x38;
	[tilespmem:$0x1F478] =	vst v63  }
0x45: {  	_ =	swait.ge [sflag:s23], $0x2800  }
0x46: {  	[sflag:s23] =	ssyncset.done $0x0  }
0x47: {  	s19 =	rddreg [dreg:$0x8];
	[sflag:s23] =	ssyncadd.s32 $0xFFFFD800  }
0x48: {  	[spmem:s19] =	stream.linear.scatter [tilespmem:s22], [sflag:$0x4], $0x2800, $0x38;
	[tilespmem:$0x1F478] =	vst v63  }
0x49: {  	_ =	swait.ge [sflag:s23], $0x2800  }
0x4a: {  	[sflag:s23] =	ssyncset.done $0x0  }
0x4b: {  	s20 =	rddreg [dreg:$0x9];
	[sflag:s23] =	ssyncadd.s32 $0xFFFFD800  }
0x4c: {  	[spmem:s20] =	stream.linear.scatter [tilespmem:s22], [sflag:$0x4], $0x2800, $0x38;
	[tilespmem:$0x1F478] =	vst v63  }
0x4d: {  	_ =	swait.ge [sflag:s23], $0x2800  }
0x4e: {  	[sflag:s23] =	ssyncset.done $0x0  }
0x4f: {  	s21 =	rddreg [dreg:$0xa];
	[sflag:s23] =	ssyncadd.s32 $0xFFFFD800  }
0x50: {  	[spmem:s21] =	stream.linear.scatter [tilespmem:s22], [sflag:$0x4], $0x2800, $0x38;
	[tilespmem:$0x1F478] =	vst v63  }
0x51: {  	_ =	swait.ge [sflag:s23], $0x2800  }
0x52: {  	[sflag:s23] =	ssyncset.done $0x0  }
0x53: {  	[sflag:s23] =	ssyncadd.s32 $0xFFFFD800  }
0x54: {  	[spmem:s11] =	stream.linear.scatter [tilespmem:s22], [sflag:$0x4], $0x2800, $0x38;
	[tilespmem:$0x1F478] =	vst v63  }
0x55: {  	_ =	swait.ge [sflag:s23], $0x2800  }
0x56: {  	[sflag:s23] =	ssyncset.done $0x0  }
0x57: {  	[sflag:s23] =	ssyncadd.s32 $0xFFFFD800  }
0x58: {  	[spmem:s12] =	stream.linear.scatter [tilespmem:s22], [sflag:$0x4], $0x2800, $0x38;
	[tilespmem:$0x1F478] =	vst v63  }
0x59: {  	_ =	swait.ge [sflag:s23], $0x2800  }
0x5a: {  	[sflag:s23] =	ssyncset.done $0x0  }
0x5b: {  	[sflag:s23] =	ssyncadd.s32 $0xFFFFD800  }
0x5c: {  	[spmem:s13] =	stream.linear.scatter [tilespmem:s22], [sflag:$0x4], $0x2800, $0x38;
	[tilespmem:$0x1F478] =	vst v63  }
0x5d: {  	_ =	swait.ge [sflag:s23], $0x2800  }
0x5e: {  	[sflag:s23] =	ssyncset.done $0x0  }
0x5f: {  	s3 =	simm.s32 @!p0 $0x9F10;
	[sflag:s23] =	ssyncadd.s32 $0xFFFFD800  }
0x60: {  	[spmem:s2] =	stream.linear.scatter @!p0 [tilespmem:s3], [sflag:$0x4], $0x1400, $0x38;
	[tilespmem:$0x1F478] =	vst v63  }
0x61: {  	s3 =	simm.s32 @!p0 $0x4  }
0x62: {  	_ =	swait.ge @!p0 [sflag:s3], $0x1400  }
0x63: {  	[sflag:s3] =	ssyncset.done @!p0 $0x0  }
0x64: {  	[sflag:s3] =	ssyncadd.s32 @!p0 $0xFFFFEC00  }
0x65: {  	_ =	swait.ge [sflag:s24], $0x2710  }
0x66: {  	[sflag:s24] =	ssyncset.done $0x0  }
0x67: {  	[sflag:s24] =	ssyncadd.s32 $0xFFFFD8F0  }
0x68: {  	s3 =	simm.s32 $0x0;
	[bflag:$0x0] =	sbarrier.arrive $0xFFFF  }
0x69: {  	[tilespmem:s22], [sflag:$0x1] =	stream.linear.gather [hbm4b:s14+s3], $0x2800, $0x38;
	[tilespmem:$0x1F478] =	vst v63  }
0x6a: {  	s19 =	smov.u32 s8;
	s20 =	smov.u32 s7;
	s21 =	smov.u32 s6  }
0x6b: {  	[tilespmem:s25], [sflag:$0x2] =	stream.linear.gather [hbm4b:s15+s3], $0x2800, $0x38;
	[tilespmem:$0x1F478] =	vst v63  }
.LBB2_6:
0x6c: {  	[tilespmem:s26], [sflag:$0x3] =	stream.linear.gather [hbm4b:s21+s4], $0x2800, $0x38;
	[tilespmem:$0x1F478] =	vst v63  }
0x6d: {  	s9 =	sshra.s32 s3, $0x2  }
0x6e: {  	v6 =	vld [tilespmem:s9+$0x0];
	_ =	sdelay $0x4  }
0x6f: {  	v7 =	vshrl.u32 v6, $0x1;
	_ =	sdelay $0x1  }
0x70: {  	v6 =	vshll.u32 v6, $0x4  }
0x71: {  	v6 =	vand.u32 $0x10, v6  }
0x72: {  	v6 =	vshll.u32 v5, v6  }
0x73: {  	[tilespmem:v7+s28+$0x0] =	vst.idx.add.s32.msk $0xffff, v6  }
0x74: {  	v6 =	vld [tilespmem:s9+$0x10];
	_ =	sdelay $0x4  }
0x75: {  	v7 =	vshrl.u32 v6, $0x1;
	_ =	sdelay $0x1  }
0x76: {  	v6 =	vshll.u32 v6, $0x4  }
0x77: {  	v6 =	vand.u32 $0x10, v6  }
0x78: {  	v6 =	vshll.u32 v5, v6  }
0x79: {  	[tilespmem:v7+s28+$0x0] =	vst.idx.add.s32.msk $0xffff, v6  }
0x7a: {  	v6 =	vld [tilespmem:s9+$0x20];
	_ =	sdelay $0x4  }
0x7b: {  	v7 =	vshrl.u32 v6, $0x1;
	_ =	sdelay $0x1  }
0x7c: {  	v6 =	vshll.u32 v6, $0x4  }
0x7d: {  	v6 =	vand.u32 $0x10, v6  }
0x7e: {  	v6 =	vshll.u32 v5, v6  }
0x7f: {  	[tilespmem:v7+s28+$0x0] =	vst.idx.add.s32.msk $0xffff, v6  }
0x80: {  	v6 =	vld [tilespmem:s9+$0x30];
	_ =	sdelay $0x4  }
0x81: {  	v7 =	vshrl.u32 v6, $0x1;
	_ =	sdelay $0x1  }
0x82: {  	v6 =	vshll.u32 v6, $0x4  }
0x83: {  	v6 =	vand.u32 $0x10, v6  }
0x84: {  	v6 =	vshll.u32 v5, v6  }
0x85: {  	[tilespmem:v7+s28+$0x0] =	vst.idx.add.s32.msk $0xffff, v6  }
0x86: {  	v6 =	vld [tilespmem:s9+$0x40];
	_ =	sdelay $0x4  }
0x87: {  	v7 =	vshrl.u32 v6, $0x1;
	_ =	sdelay $0x1  }
0x88: {  	v6 =	vshll.u32 v6, $0x4  }
0x89: {  	v6 =	vand.u32 $0x10, v6  }
0x8a: {  	v6 =	vshll.u32 v5, v6  }
0x8b: {  	[tilespmem:v7+s28+$0x0] =	vst.idx.add.s32.msk $0xffff, v6  }
0x8c: {  	_ =	swait.ge [sflag:s24], $0x2800  }
0x8d: {  	[sflag:s24] =	ssyncset.done $0x0  }
0x8e: {  	[sflag:s24] =	ssyncadd.s32 $0xFFFFD800  }
0x8f: {  	[spmem:s1] =	stream.indirect.scatter.add.f32 [tilespmem:s22], [sflag:$0x4], $0x80, s9, s29, $0xb8;
	[tilespmem:$0x1F478] =	vst v63  }
0x90: {  	_ =	swait.ge [sflag:s23], $0x2800  }
0x91: {  	[sflag:s23] =	ssyncset.done $0x0  }
0x92: {  	[sflag:s23] =	ssyncadd.s32 $0xFFFFD800  }
0x93: {  	[tilespmem:s22], [sflag:$0x1] =	stream.linear.gather [hbm4b:s20+s4], $0x2800, $0x38;
	[tilespmem:$0x1F478] =	vst v63  }
0x94: {  	v6 =	vld [tilespmem:s9+$0x50];
	_ =	sdelay $0x4  }
0x95: {  	v7 =	vshrl.u32 v6, $0x1;
	_ =	sdelay $0x1  }
0x96: {  	v6 =	vshll.u32 v6, $0x4  }
0x97: {  	v6 =	vand.u32 $0x10, v6  }
0x98: {  	v6 =	vshll.u32 v5, v6  }
0x99: {  	[tilespmem:v7+s28+$0x0] =	vst.idx.add.s32.msk $0xffff, v6  }
0x9a: {  	v6 =	vld [tilespmem:s9+$0x60];
	_ =	sdelay $0x4  }
0x9b: {  	v7 =	vshrl.u32 v6, $0x1;
	_ =	sdelay $0x1  }
0x9c: {  	v6 =	vshll.u32 v6, $0x4  }
0x9d: {  	v6 =	vand.u32 $0x10, v6  }
0x9e: {  	v6 =	vshll.u32 v5, v6  }
0x9f: {  	[tilespmem:v7+s28+$0x0] =	vst.idx.add.s32.msk $0xffff, v6  }
0xa0: {  	v6 =	vld [tilespmem:s9+$0x70];
	_ =	sdelay $0x4  }
0xa1: {  	v7 =	vshrl.u32 v6, $0x1;
	_ =	sdelay $0x1  }
0xa2: {  	v6 =	vshll.u32 v6, $0x4  }
0xa3: {  	v6 =	vand.u32 $0x10, v6  }
0xa4: {  	v6 =	vshll.u32 v5, v6  }
0xa5: {  	[tilespmem:v7+s28+$0x0] =	vst.idx.add.s32.msk $0xffff, v6  }
0xa6: {  	v6 =	vld [tilespmem:s9+$0x80];
	_ =	sdelay $0x4  }
0xa7: {  	v7 =	vshrl.u32 v6, $0x1;
	_ =	sdelay $0x1  }
0xa8: {  	v6 =	vshll.u32 v6, $0x4  }
0xa9: {  	v6 =	vand.u32 $0x10, v6  }
0xaa: {  	v6 =	vshll.u32 v5, v6  }
0xab: {  	[tilespmem:v7+s28+$0x0] =	vst.idx.add.s32.msk $0xffff, v6  }
0xac: {  	v6 =	vld [tilespmem:s9+$0x90];
	_ =	sdelay $0x4  }
0xad: {  	v7 =	vshrl.u32 v6, $0x1;
	_ =	sdelay $0x1  }
0xae: {  	v6 =	vshll.u32 v6, $0x4  }
0xaf: {  	v6 =	vand.u32 $0x10, v6  }
0xb0: {  	v6 =	vshll.u32 v5, v6  }
0xb1: {  	[tilespmem:v7+s28+$0x0] =	vst.idx.add.s32.msk $0xffff, v6  }
0xb2: {  	_ =	swait.ge [sflag:s30], $0x2800  }
0xb3: {  	[sflag:s30] =	ssyncset.done $0x0  }
0xb4: {  	s10 =	sadd.s32 $0x50, s9;
	[sflag:s30] =	ssyncadd.s32 $0xFFFFD800  }
0xb5: {  	[spmem:s1] =	stream.indirect.scatter.add.f32 [tilespmem:s25], [sflag:$0x4], $0x80, s10, s29, $0xb8;
	[tilespmem:$0x1F478] =	vst v63  }
0xb6: {  	_ =	swait.ge [sflag:s23], $0x2800  }
0xb7: {  	[sflag:s23] =	ssyncset.done $0x0  }
0xb8: {  	[sflag:s23] =	ssyncadd.s32 $0xFFFFD800  }
0xb9: {  	[tilespmem:s25], [sflag:$0x2] =	stream.linear.gather [hbm4b:s19+s4], $0x2800, $0x38;
	[tilespmem:$0x1F478] =	vst v63  }
0xba: {  	v6 =	vld [tilespmem:s9+$0xA0];
	_ =	sdelay $0x4  }
0xbb: {  	v7 =	vshrl.u32 v6, $0x1;
	_ =	sdelay $0x1  }
0xbc: {  	v6 =	vshll.u32 v6, $0x4  }
0xbd: {  	v6 =	vand.u32 $0x10, v6  }
0xbe: {  	v6 =	vshll.u32 v5, v6  }
0xbf: {  	[tilespmem:v7+s28+$0x0] =	vst.idx.add.s32.msk $0xffff, v6  }
0xc0: {  	v6 =	vld [tilespmem:s9+$0xB0];
	_ =	sdelay $0x4  }
0xc1: {  	v7 =	vshrl.u32 v6, $0x1;
	_ =	sdelay $0x1  }
0xc2: {  	v6 =	vshll.u32 v6, $0x4  }
0xc3: {  	v6 =	vand.u32 $0x10, v6  }
0xc4: {  	v6 =	vshll.u32 v5, v6  }
0xc5: {  	[tilespmem:v7+s28+$0x0] =	vst.idx.add.s32.msk $0xffff, v6  }
0xc6: {  	v6 =	vld [tilespmem:s9+$0xC0];
	_ =	sdelay $0x4  }
0xc7: {  	v7 =	vshrl.u32 v6, $0x1;
	_ =	sdelay $0x1  }
0xc8: {  	v6 =	vshll.u32 v6, $0x4  }
0xc9: {  	v6 =	vand.u32 $0x10, v6  }
0xca: {  	v6 =	vshll.u32 v5, v6  }
0xcb: {  	[tilespmem:v7+s28+$0x0] =	vst.idx.add.s32.msk $0xffff, v6  }
0xcc: {  	v6 =	vld [tilespmem:s9+$0xD0];
	_ =	sdelay $0x4  }
0xcd: {  	v7 =	vshrl.u32 v6, $0x1;
	_ =	sdelay $0x1  }
0xce: {  	v6 =	vshll.u32 v6, $0x4  }
0xcf: {  	v6 =	vand.u32 $0x10, v6  }
0xd0: {  	v6 =	vshll.u32 v5, v6  }
0xd1: {  	[tilespmem:v7+s28+$0x0] =	vst.idx.add.s32.msk $0xffff, v6  }
0xd2: {  	v6 =	vld [tilespmem:s9+$0xE0];
	_ =	sdelay $0x4  }
0xd3: {  	v7 =	vshrl.u32 v6, $0x1;
	_ =	sdelay $0x1  }
0xd4: {  	v6 =	vshll.u32 v6, $0x4  }
0xd5: {  	v6 =	vand.u32 $0x10, v6  }
0xd6: {  	v6 =	vshll.u32 v5, v6  }
0xd7: {  	[tilespmem:v7+s28+$0x0] =	vst.idx.add.s32.msk $0xffff, v6  }
0xd8: {  	_ =	swait.ge [sflag:s31], $0x2800  }
0xd9: {  	p1 =	sne.s32 s3, $0x9600;
	[sflag:s31] =	ssyncset.done $0x0  }
.Ltmp2:
0xda: {  	s9 =	sadd.s32 $0xA0, s9;
	[sflag:s31] =	ssyncadd.s32 $0xFFFFD800;
	(pc) =	sbr.rel @p1 .LBB2_6-.Ltmp2, $4  }
0xdb: {  	[spmem:s1] =	stream.indirect.scatter.add.f32 [tilespmem:s26], [sflag:$0x4], $0x80, s9, s29, $0xb8;
	[tilespmem:$0x1F478] =	vst v63  }
0xdc: {  	_ =	swait.ge [sflag:s23], $0x2800  }
0xdd: {  	s21 =	sadd.s32 $0xF00, s21;
	s3 =	sadd.s32 $0x3C0, s3;
	[sflag:s23] =	ssyncset.done $0x0  }
0xde: {  	s20 =	sadd.s32 $0xF00, s20;
	s19 =	sadd.s32 $0xF00, s19;
	[sflag:s23] =	ssyncadd.s32 $0xFFFFD800  }
0xdf: {  	v6 =	vld [tilespmem:$0x2670];
	_ =	sdelay $0x4  }
0xe0: {  	v7 =	vshrl.u32 v6, $0x1;
	_ =	sdelay $0x1  }
0xe1: {  	v6 =	vshll.u32 v6, $0x4  }
0xe2: {  	v6 =	vand.u32 $0x10, v6  }
0xe3: {  	v6 =	vshll.u32 v5, v6  }
0xe4: {  	[tilespmem:v7+s28+$0x0] =	vst.idx.add.s32.msk $0xffff, v6  }
0xe5: {  	v6 =	vld [tilespmem:$0x2680];
	_ =	sdelay $0x4  }
0xe6: {  	v7 =	vshrl.u32 v6, $0x1;
	_ =	sdelay $0x1  }
0xe7: {  	v6 =	vshll.u32 v6, $0x4  }
0xe8: {  	v6 =	vand.u32 $0x10, v6  }
0xe9: {  	v6 =	vshll.u32 v5, v6  }
0xea: {  	[tilespmem:v7+s28+$0x0] =	vst.idx.add.s32.msk $0xffff, v6  }
0xeb: {  	v6 =	vld [tilespmem:$0x2690];
	_ =	sdelay $0x4  }
0xec: {  	v7 =	vshrl.u32 v6, $0x1;
	_ =	sdelay $0x1  }
0xed: {  	v6 =	vshll.u32 v6, $0x4  }
0xee: {  	v6 =	vand.u32 $0x10, v6  }
0xef: {  	v6 =	vshll.u32 v5, v6  }
0xf0: {  	[tilespmem:v7+s28+$0x0] =	vst.idx.add.s32.msk $0xffff, v6  }
0xf1: {  	v6 =	vld [tilespmem:$0x26A0];
	_ =	sdelay $0x4  }
0xf2: {  	v7 =	vshrl.u32 v6, $0x1;
	_ =	sdelay $0x1  }
0xf3: {  	v6 =	vshll.u32 v6, $0x4  }
0xf4: {  	v6 =	vand.u32 $0x10, v6  }
0xf5: {  	v6 =	vshll.u32 v5, v6  }
0xf6: {  	[tilespmem:v7+s28+$0x0] =	vst.idx.add.s32.msk $0xffff, v6  }
0xf7: {  	v6 =	vld [tilespmem:$0x26B0];
	_ =	sdelay $0x4  }
0xf8: {  	v7 =	vshrl.u32 v6, $0x1;
	_ =	sdelay $0x1  }
0xf9: {  	v6 =	vshll.u32 v6, $0x4  }
0xfa: {  	v6 =	vand.u32 $0x10, v6  }
0xfb: {  	v6 =	vshll.u32 v5, v6  }
0xfc: {  	[tilespmem:v7+s28+$0x0] =	vst.idx.add.s32.msk $0xffff, v6  }
0xfd: {  	_ =	swait.ge [sflag:s24], $0x2800  }
0xfe: {  	[sflag:s24] =	ssyncset.done $0x0  }
0xff: {  	s3 =	simm.s32 $0x2670;
	[sflag:s24] =	ssyncadd.s32 $0xFFFFD800  }
0x100: {  	[spmem:s1] =	stream.indirect.scatter.add.f32 [tilespmem:s22], [sflag:$0x4], $0x80, s3, s29, $0xb8;
	[tilespmem:$0x1F478] =	vst v63  }
0x101: {  	_ =	swait.ge [sflag:s23], $0x2800  }
0x102: {  	[sflag:s23] =	ssyncset.done $0x0  }
0x103: {  	[sflag:s23] =	ssyncadd.s32 $0xFFFFD800  }
0x104: {  	v6 =	vld [tilespmem:$0x26C0];
	_ =	sdelay $0x4  }
0x105: {  	v7 =	vshrl.u32 v6, $0x1;
	_ =	sdelay $0x1  }
0x106: {  	v6 =	vshll.u32 v6, $0x4  }
0x107: {  	v6 =	vand.u32 $0x10, v6  }
0x108: {  	v6 =	vshll.u32 v5, v6  }
0x109: {  	[tilespmem:v7+s28+$0x0] =	vst.idx.add.s32.msk $0xffff, v6  }
0x10a: {  	v6 =	vld [tilespmem:$0x26D0];
	_ =	sdelay $0x4  }
0x10b: {  	v7 =	vshrl.u32 v6, $0x1;
	_ =	sdelay $0x1  }
0x10c: {  	v6 =	vshll.u32 v6, $0x4  }
0x10d: {  	v6 =	vand.u32 $0x10, v6  }
0x10e: {  	v6 =	vshll.u32 v5, v6  }
0x10f: {  	[tilespmem:v7+s28+$0x0] =	vst.idx.add.s32.msk $0xffff, v6  }
0x110: {  	v6 =	vld [tilespmem:$0x26E0];
	_ =	sdelay $0x4  }
0x111: {  	v7 =	vshrl.u32 v6, $0x1;
	_ =	sdelay $0x1  }
0x112: {  	v6 =	vshll.u32 v6, $0x4  }
0x113: {  	v6 =	vand.u32 $0x10, v6  }
0x114: {  	v6 =	vshll.u32 v5, v6  }
0x115: {  	[tilespmem:v7+s28+$0x0] =	vst.idx.add.s32.msk $0xffff, v6  }
0x116: {  	v6 =	vld [tilespmem:$0x26F0];
	_ =	sdelay $0x4  }
0x117: {  	v7 =	vshrl.u32 v6, $0x1;
	_ =	sdelay $0x1  }
0x118: {  	v6 =	vshll.u32 v6, $0x4  }
0x119: {  	v6 =	vand.u32 $0x10, v6  }
0x11a: {  	v6 =	vshll.u32 v5, v6  }
0x11b: {  	[tilespmem:v7+s28+$0x0] =	vst.idx.add.s32.msk $0xffff, v6  }
0x11c: {  	v6 =	vld [tilespmem:$0x2700];
	_ =	sdelay $0x4  }
0x11d: {  	v7 =	vshrl.u32 v6, $0x1;
	_ =	sdelay $0x1  }
0x11e: {  	v6 =	vshll.u32 v6, $0x4  }
0x11f: {  	v6 =	vand.u32 $0x10, v6  }
0x120: {  	v6 =	vshll.u32 v5, v6  }
0x121: {  	[tilespmem:v7+s28+$0x0] =	vst.idx.add.s32.msk $0xffff, v6  }
0x122: {  	_ =	swait.ge [sflag:s30], $0x2800  }
0x123: {  	[sflag:s30] =	ssyncset.done $0x0  }
0x124: {  	s10 =	simm.s32 $0x26C0;
	[sflag:s30] =	ssyncadd.s32 $0xFFFFD800  }
0x125: {  	[spmem:s1] =	stream.indirect.scatter.add.f32 [tilespmem:s25], [sflag:$0x4], $0x80, s10, s29, $0xb8;
	[tilespmem:$0x1F478] =	vst v63  }
0x126: {  	_ =	swait.ge [sflag:s23], $0x2800  }
0x127: {  	[sflag:s23] =	ssyncset.done $0x0  }
0x128: {  	[sflag:s23] =	ssyncadd.s32 $0xFFFFD800  }
0x129: {  	s19 =	simm.s32 $0x28;
	s9 =	simm.s32 $0xB310;
	[bflag:$0x0] =	sbarrier.arrive $0xFFFF  }
0x12a: {  	[spmem:s2] =	stream.indirect.scatter.add.s32 [tilespmem:s28], [sflag:$0x4], $0x80, s9, s19, $0xb8;
	[tilespmem:$0x1F478] =	vst v63  }
0x12b: {  	_ =	swait.ge [sflag:s23], $0x1400  }
0x12c: {  	s20 =	stileid.u32;
	[sflag:s23] =	ssyncset.done $0x0  }
0x12d: {  	s3 =	sshll.u32 s20, $0x6;
	[sflag:s23] =	ssyncadd.s32 $0xFFFFEC00  }
0x12e: {  	s21 =	sshrl.u32 s5, $0x3;
	s3 =	sor.u32 $0x1C04, s3;
	[bflag:$0x0] =	sbarrier.arrive $0xFFFF  }
0x12f: {  	[hbm:s16], [sflag:s3] =	dma.local [spmem:s21], $0x2800  }
0x130: {  	_ =	swait.ge [sflag:s23], $0x2800  }
0x131: {  	s0 =	sadd.s32 $0x1, s0;
	[sflag:s23] =	ssyncset.done $0x0  }
0x132: {  	p1 =	sne.s32 s0, s18;
	s9 =	sshrl.u32 @!p0 s2, $0x3;
	[sflag:s23] =	ssyncadd.s32 $0xFFFFD800  }
0x133: {  	[hbm:s17], [sflag:s3] =	dma.local @!p0 [spmem:s9], $0x280  }
.Ltmp3:
0x134: {  	_ = 	snop;
	(pc) =	sbr.rel @p1 .LBB2_1-.Ltmp3, $4  }
0x135: {  	s3 =	simm.s32 @!p0 $0x4  }
0x136: {  	_ =	swait.ge @!p0 [sflag:s3], $0x280  }
0x137: {  	[sflag:s3] =	ssyncset.done @!p0 $0x0  }
0x138: {  	[sflag:s3] =	ssyncadd.s32 @!p0 $0xFFFFFD80  }
0x139: {  	_ =	sfence.sel $0x180000  }
0x13a: {  	[bflag:$0x0] =	sbarrier.arrive $0xFFFF  }
0x13b: {  	_ =	strace $0x90000047  }
0x13c: {  	[bflag:$0x2] =	sbarrier.arrive $0xFFFF  }
0x13d: {  	s0 =	rddreg [dreg:$0x5]  }
0x13e: {  	s0 =	sadd.s32 @!p0 $0x100000, s0  }
0x13f: {  	[sflag:s0] =	ssyncadd.tile.s32 @!p0 $0x1;
	_ =	shalt  }
.Lfunc_end2:
_tile_overlayer_lowered:
.L_overlay_start_2:
0x140: {  	(tag) =	ssettag $0x2  }
0x141: {  	s0 =	rddreg [dreg:$0x0];
	s2 =	stileid.u32  }
0x142: {  	s1 =	rddreg [dreg:$0x1];
	p0 =	sne.s32 s2, $0x0  }
0x143: {  	s3 =	rddreg [dreg:$0x2];
	[bflag:$0x3] =	sbarrier.arrive $0xFFFF;
	s2 =	simm.s32 @!p0 $0x1C04  }
0x144: {  	[timem:s3], [sflag:s2] =	dma.local @!p0 [hbm:s0], s1  }
0x145: {  	s0 =	simm.s32 @!p0 $0x4  }
0x146: {  	_ =	swait.ge @!p0 [sflag:s0], s1  }
0x147: {  	s1 =	ssub.s32 @!p0 $0x0, s1;
	[sflag:s0] =	ssyncset.done @!p0 $0x0  }
0x148: {  	[sflag:s0] =	ssyncadd.s32 @!p0 s1  }
0x149: {  	[bflag:$0x3] =	sbarrier.arrive $0xFFFF  }
0x14a: {  	_ =	shalt  }

</sc_bundles>
